<compile_context>
chip_gen: v7x
topology: tpu7x:2x2x1
jax: 0.10.2.dev20260603
libtpu: 0.0.44.dev20260713+nightly
codegen_flags: <defaults>
</compile_context>

<pallas_src>
import functools

import jax
import jax.numpy as jnp
from jax import lax
from jax.experimental import pallas as pl
from jax.experimental.pallas import tpu as pltpu
from jax.experimental.pallas import tpu_sc as plsc

_NC = 2
_NS = 16
_NW = _NC * _NS

_CHUNK = 128
_NBUF = 8


@functools.lru_cache(maxsize=None)
def _make_gather(R, D):
    assert R % (_NW * _CHUNK) == 0
    rpw = R // _NW
    nch = rpw // _CHUNK
    assert nch % _NBUF == 0
    ngroups = nch // _NBUF

    mesh = plsc.VectorSubcoreMesh(core_axis_name="c", subcore_axis_name="s")

    @functools.partial(
        pl.kernel,
        mesh=mesh,
        out_type=jax.ShapeDtypeStruct((R, D), jnp.float32),
        scratch_types=(
            [pltpu.VMEM((nch, _CHUNK), jnp.int32)]
            + [pltpu.VMEM((_CHUNK, D), jnp.float32) for _ in range(_NBUF)]
            + [pltpu.SemaphoreType.DMA for _ in range(2 * _NBUF)]
        ),
        compiler_params=pltpu.CompilerParams(use_tc_tiling_on_sc=False),
    )
    def gather_kernel(tab_hbm, idx_hbm, out_hbm, idx2d, *rest):
        rows = rest[:_NBUF]
        gsem = rest[_NBUF:2 * _NBUF]
        ssem = rest[2 * _NBUF:]

        wid = lax.axis_index("s") * _NC + lax.axis_index("c")
        chunk0 = wid * nch
        row0 = wid * rpw

        pltpu.sync_copy(idx_hbm.at[pl.ds(chunk0, nch)], idx2d)

        def g_start(j, b):
            pltpu.make_async_copy(
                tab_hbm.at[idx2d.at[j]], rows[b], gsem[b]).start()

        def g_wait(j, b):
            pltpu.make_async_copy(
                tab_hbm.at[idx2d.at[j]], rows[b], gsem[b]).wait()

        def s_start(j, b):
            pltpu.make_async_copy(
                rows[b], out_hbm.at[pl.ds(row0 + j * _CHUNK, _CHUNK)],
                ssem[b]).start()

        def s_wait(j, b):
            pltpu.make_async_copy(
                rows[b], out_hbm.at[pl.ds(row0 + j * _CHUNK, _CHUNK)],
                ssem[b]).wait()

        for b in range(_NBUF):
            g_start(b, b)

        def group(gi, carry):
            g = gi * _NBUF
            for b in range(_NBUF):
                j = g + b
                g_wait(j, b)
                s_start(j, b)
            for b in range(_NBUF):
                j = g + b
                s_wait(j, b)
                g_start(j + _NBUF, b)
            return carry

        lax.fori_loop(0, ngroups - 1, group, 0)

        g = (ngroups - 1) * _NBUF
        for b in range(_NBUF):
            j = g + b
            g_wait(j, b)
            s_start(j, b)
        for b in range(_NBUF):
            s_wait(g + b, b)

    return gather_kernel


def kernel(cat_tensor, tables):
    if cat_tensor.ndim == 1:
        cat_tensor = cat_tensor[None, :]
    B, C = cat_tensor.shape
    _, V, D = tables.shape
    R = B * C
    tab_flat = tables.reshape(C * V, D)
    base = jnp.arange(C, dtype=cat_tensor.dtype) * V
    flat_idx = jnp.clip(cat_tensor, 0, V - 1) + base[None, :]
    idx = lax.optimization_barrier(
        flat_idx.astype(jnp.int32).reshape(R // _CHUNK, _CHUNK))
    out = _make_gather(R, D)(tab_flat, idx)
    return out.reshape(B, C * D)

# --- scband reference (transcript-rebuilt; emitter-appended) ---
"""Pipeline reference for scband-embedding-layer-84482006712434 (READ-ONLY COPY).

The authoritative reference and input builder live on the scoring server;
editing this copy changes nothing except your own understanding.
"""

import jax, jax.numpy as jnp
import numpy as np

N_COLS = 26
VOCAB = 100000
DIM = 32  # min(32, round(sqrt(100000)) + 1) = 32
BATCH = 16384


def setup_inputs(seed: int = 0) -> dict:
    key = jax.random.key(seed)
    k1, k2 = jax.random.split(key)
    cat_tensor = jax.random.randint(k1, (BATCH, N_COLS), 0, VOCAB)
    # 26 embedding tables, all cardinality 100000 and dim 32, stacked into one array
    tables = jax.random.normal(k2, (N_COLS, VOCAB, DIM), dtype=jnp.float32) * 0.05
    return {"cat_tensor": cat_tensor, "tables": tables}


def reference(cat_tensor, tables):
    # torch: indices = clamp(cat_tensor[:, idx], 0, card-1); parts.append(emb[col](indices)); cat(parts, dim=1)
    if cat_tensor.ndim == 1:
        cat_tensor = cat_tensor[None, :]
    idx = jnp.clip(cat_tensor, 0, VOCAB - 1)  # [B, C]
    # per-column gather: tables[c][idx[:, c]] for each c, vectorized
    gathered = tables[jnp.arange(N_COLS)[:, None], idx.T]  # [C, B, D]
    out = jnp.transpose(gathered, (1, 0, 2)).reshape(cat_tensor.shape[0], N_COLS * DIM)  # [B, 832]
    # layer_norm=False, dropout=0.0 -> identity
    return out

if __name__ == "__main__":
    import jax
    _d = setup_inputs()
    print(jax.jit(kernel)(*tuple(_d.values())))

</pallas_src>

<mosaic_0001>
#map = affine_map<(d0, d1) -> (0, 0)>
module attributes {stable_mosaic.version = 14 : i64} {
  func.func @gather_kernel(%arg0: i32, %arg1: i32, %arg2: memref<2600000x32xf32, #tpu.memory_space<hbm>>, %arg3: memref<3328x128xi32, #tpu.memory_space<hbm>>, %arg4: memref<425984x32xf32, #tpu.memory_space<hbm>>, %arg5: memref<104x128xi32, #tpu.memory_space<vmem>>, %arg6: memref<128x32xf32, #tpu.memory_space<vmem>>, %arg7: memref<128x32xf32, #tpu.memory_space<vmem>>, %arg8: memref<128x32xf32, #tpu.memory_space<vmem>>, %arg9: memref<128x32xf32, #tpu.memory_space<vmem>>, %arg10: memref<128x32xf32, #tpu.memory_space<vmem>>, %arg11: memref<128x32xf32, #tpu.memory_space<vmem>>, %arg12: memref<128x32xf32, #tpu.memory_space<vmem>>, %arg13: memref<128x32xf32, #tpu.memory_space<vmem>>, %arg14: memref<!tpu.dma_semaphore, #tpu.memory_space<semaphore_mem>>, %arg15: memref<!tpu.dma_semaphore, #tpu.memory_space<semaphore_mem>>, %arg16: memref<!tpu.dma_semaphore, #tpu.memory_space<semaphore_mem>>, %arg17: memref<!tpu.dma_semaphore, #tpu.memory_space<semaphore_mem>>, %arg18: memref<!tpu.dma_semaphore, #tpu.memory_space<semaphore_mem>>, %arg19: memref<!tpu.dma_semaphore, #tpu.memory_space<semaphore_mem>>, %arg20: memref<!tpu.dma_semaphore, #tpu.memory_space<semaphore_mem>>, %arg21: memref<!tpu.dma_semaphore, #tpu.memory_space<semaphore_mem>>, %arg22: memref<!tpu.dma_semaphore, #tpu.memory_space<semaphore_mem>>, %arg23: memref<!tpu.dma_semaphore, #tpu.memory_space<semaphore_mem>>, %arg24: memref<!tpu.dma_semaphore, #tpu.memory_space<semaphore_mem>>, %arg25: memref<!tpu.dma_semaphore, #tpu.memory_space<semaphore_mem>>, %arg26: memref<!tpu.dma_semaphore, #tpu.memory_space<semaphore_mem>>, %arg27: memref<!tpu.dma_semaphore, #tpu.memory_space<semaphore_mem>>, %arg28: memref<!tpu.dma_semaphore, #tpu.memory_space<semaphore_mem>>, %arg29: memref<!tpu.dma_semaphore, #tpu.memory_space<semaphore_mem>>) attributes {dimension_semantics = [#tpu.dimension_semantics<core_parallel>, #tpu.dimension_semantics<subcore_parallel>], iteration_bounds = array<i64: 2, 16>, scalar_prefetch = 0 : i64, scratch_operands = 25 : i64, tpu.core_type = #tpu.core_type<sc_vector_subcore>, window_params = [{transform_indices = #map}, {transform_indices = #map}, {transform_indices = #map}]} {
    %mul3A = arith.constant 2 : i32
    %mul3A_0 = arith.muli %arg1, %mul3A : i32
    %add3A = arith.addi %mul3A_0, %arg0 : i32
    %mul3A_1 = arith.constant 104 : i32
    %mul3A_2 = arith.muli %add3A, %mul3A_1 : i32
    %mul3A_3 = arith.constant 13312 : i32
    %mul3A_4 = arith.muli %add3A, %mul3A_3 : i32
    "tpu.region"() ({
      %run_scoped3A = tpu.sem_alloc : memref<!tpu.dma_semaphore, #tpu.memory_space<semaphore_mem>>
      %dma_start3A_216 = arith.constant 0 : i32
      %dma_start3A_217 = tpu.memref_slice %arg3[%mul3A_2, %dma_start3A_216] : memref<3328x128xi32, #tpu.memory_space<hbm>> -> memref<104x128xi32, #tpu.memory_space<hbm>>
      %dma_start3A_218 = arith.constant 0 : i32
      %dma_start3A_219 = tpu.memref_slice %arg3[%mul3A_2, %dma_start3A_218] : memref<3328x128xi32, #tpu.memory_space<hbm>> -> memref<104x128xi32, #tpu.memory_space<hbm>>
      tpu.enqueue_dma source(%dma_start3A_219 : memref<104x128xi32, #tpu.memory_space<hbm>>) target(%arg5 : memref<104x128xi32, #tpu.memory_space<vmem>>) target_semaphore(%run_scoped3A : memref<!tpu.dma_semaphore, #tpu.memory_space<semaphore_mem>>)
      %dma_wait3A_220 = arith.constant 0 : i32
      %dma_wait3A_221 = tpu.memref_slice %arg3[%mul3A_2, %dma_wait3A_220] : memref<3328x128xi32, #tpu.memory_space<hbm>> -> memref<104x128xi32, #tpu.memory_space<hbm>>
      %dma_wait3A_222 = arith.constant 0 : i32
      %dma_wait3A_223 = tpu.memref_slice %arg3[%mul3A_2, %dma_wait3A_222] : memref<3328x128xi32, #tpu.memory_space<hbm>> -> memref<104x128xi32, #tpu.memory_space<hbm>>
      tpu.wait_dma2 semaphore(%run_scoped3A : memref<!tpu.dma_semaphore, #tpu.memory_space<semaphore_mem>>) src(%dma_wait3A_223 : memref<104x128xi32, #tpu.memory_space<hbm>>) dst(%arg5 : memref<104x128xi32, #tpu.memory_space<vmem>>)
      tpu.yield
    }) : () -> ()
    %dma_start3A = arith.constant 0 : i32
    %dma_start3A_5 = arith.constant 0 : i32
    %dma_start3A_6 = tpu.memref_slice %arg5[%dma_start3A, %dma_start3A_5] : memref<104x128xi32, #tpu.memory_space<vmem>> -> memref<1x128xi32, #tpu.memory_space<vmem>>
    %dma_start3A_7 = tpu.memref_squeeze %dma_start3A_6 : memref<1x128xi32, #tpu.memory_space<vmem>> -> memref<128xi32, #tpu.memory_space<vmem>>
    %dma_start3A_8 = arith.constant 0 : i32
    %dma_start3A_9 = arith.constant 0 : i32
    %dma_start3A_10 = tpu.memref_slice %arg2[%dma_start3A_8, %dma_start3A_9] : memref<2600000x32xf32, #tpu.memory_space<hbm>> -> memref<2600000x32xf32, #tpu.memory_space<hbm>>
    tpu.enqueue_indirect_dma source(%dma_start3A_10 : memref<2600000x32xf32, #tpu.memory_space<hbm>>) target(%arg6 : memref<128x32xf32, #tpu.memory_space<vmem>>) offsets(%dma_start3A_7 : memref<128xi32, #tpu.memory_space<vmem>>) semaphore(%arg14 : memref<!tpu.dma_semaphore, #tpu.memory_space<semaphore_mem>>)
    %dma_start3A_11 = arith.constant 1 : i32
    %dma_start3A_12 = arith.constant 0 : i32
    %dma_start3A_13 = tpu.memref_slice %arg5[%dma_start3A_11, %dma_start3A_12] : memref<104x128xi32, #tpu.memory_space<vmem>> -> memref<1x128xi32, #tpu.memory_space<vmem>>
    %dma_start3A_14 = tpu.memref_squeeze %dma_start3A_13 : memref<1x128xi32, #tpu.memory_space<vmem>> -> memref<128xi32, #tpu.memory_space<vmem>>
    %dma_start3A_15 = arith.constant 0 : i32
    %dma_start3A_16 = arith.constant 0 : i32
    %dma_start3A_17 = tpu.memref_slice %arg2[%dma_start3A_15, %dma_start3A_16] : memref<2600000x32xf32, #tpu.memory_space<hbm>> -> memref<2600000x32xf32, #tpu.memory_space<hbm>>
    tpu.enqueue_indirect_dma source(%dma_start3A_17 : memref<2600000x32xf32, #tpu.memory_space<hbm>>) target(%arg7 : memref<128x32xf32, #tpu.memory_space<vmem>>) offsets(%dma_start3A_14 : memref<128xi32, #tpu.memory_space<vmem>>) semaphore(%arg15 : memref<!tpu.dma_semaphore, #tpu.memory_space<semaphore_mem>>)
    %dma_start3A_18 = arith.constant 2 : i32
    %dma_start3A_19 = arith.constant 0 : i32
    %dma_start3A_20 = tpu.memref_slice %arg5[%dma_start3A_18, %dma_start3A_19] : memref<104x128xi32, #tpu.memory_space<vmem>> -> memref<1x128xi32, #tpu.memory_space<vmem>>
    %dma_start3A_21 = tpu.memref_squeeze %dma_start3A_20 : memref<1x128xi32, #tpu.memory_space<vmem>> -> memref<128xi32, #tpu.memory_space<vmem>>
    %dma_start3A_22 = arith.constant 0 : i32
    %dma_start3A_23 = arith.constant 0 : i32
    %dma_start3A_24 = tpu.memref_slice %arg2[%dma_start3A_22, %dma_start3A_23] : memref<2600000x32xf32, #tpu.memory_space<hbm>> -> memref<2600000x32xf32, #tpu.memory_space<hbm>>
    tpu.enqueue_indirect_dma source(%dma_start3A_24 : memref<2600000x32xf32, #tpu.memory_space<hbm>>) target(%arg8 : memref<128x32xf32, #tpu.memory_space<vmem>>) offsets(%dma_start3A_21 : memref<128xi32, #tpu.memory_space<vmem>>) semaphore(%arg16 : memref<!tpu.dma_semaphore, #tpu.memory_space<semaphore_mem>>)
    %dma_start3A_25 = arith.constant 3 : i32
    %dma_start3A_26 = arith.constant 0 : i32
    %dma_start3A_27 = tpu.memref_slice %arg5[%dma_start3A_25, %dma_start3A_26] : memref<104x128xi32, #tpu.memory_space<vmem>> -> memref<1x128xi32, #tpu.memory_space<vmem>>
    %dma_start3A_28 = tpu.memref_squeeze %dma_start3A_27 : memref<1x128xi32, #tpu.memory_space<vmem>> -> memref<128xi32, #tpu.memory_space<vmem>>
    %dma_start3A_29 = arith.constant 0 : i32
    %dma_start3A_30 = arith.constant 0 : i32
    %dma_start3A_31 = tpu.memref_slice %arg2[%dma_start3A_29, %dma_start3A_30] : memref<2600000x32xf32, #tpu.memory_space<hbm>> -> memref<2600000x32xf32, #tpu.memory_space<hbm>>
    tpu.enqueue_indirect_dma source(%dma_start3A_31 : memref<2600000x32xf32, #tpu.memory_space<hbm>>) target(%arg9 : memref<128x32xf32, #tpu.memory_space<vmem>>) offsets(%dma_start3A_28 : memref<128xi32, #tpu.memory_space<vmem>>) semaphore(%arg17 : memref<!tpu.dma_semaphore, #tpu.memory_space<semaphore_mem>>)
    %dma_start3A_32 = arith.constant 4 : i32
    %dma_start3A_33 = arith.constant 0 : i32
    %dma_start3A_34 = tpu.memref_slice %arg5[%dma_start3A_32, %dma_start3A_33] : memref<104x128xi32, #tpu.memory_space<vmem>> -> memref<1x128xi32, #tpu.memory_space<vmem>>
    %dma_start3A_35 = tpu.memref_squeeze %dma_start3A_34 : memref<1x128xi32, #tpu.memory_space<vmem>> -> memref<128xi32, #tpu.memory_space<vmem>>
    %dma_start3A_36 = arith.constant 0 : i32
    %dma_start3A_37 = arith.constant 0 : i32
    %dma_start3A_38 = tpu.memref_slice %arg2[%dma_start3A_36, %dma_start3A_37] : memref<2600000x32xf32, #tpu.memory_space<hbm>> -> memref<2600000x32xf32, #tpu.memory_space<hbm>>
    tpu.enqueue_indirect_dma source(%dma_start3A_38 : memref<2600000x32xf32, #tpu.memory_space<hbm>>) target(%arg10 : memref<128x32xf32, #tpu.memory_space<vmem>>) offsets(%dma_start3A_35 : memref<128xi32, #tpu.memory_space<vmem>>) semaphore(%arg18 : memref<!tpu.dma_semaphore, #tpu.memory_space<semaphore_mem>>)
    %dma_start3A_39 = arith.constant 5 : i32
    %dma_start3A_40 = arith.constant 0 : i32
    %dma_start3A_41 = tpu.memref_slice %arg5[%dma_start3A_39, %dma_start3A_40] : memref<104x128xi32, #tpu.memory_space<vmem>> -> memref<1x128xi32, #tpu.memory_space<vmem>>
    %dma_start3A_42 = tpu.memref_squeeze %dma_start3A_41 : memref<1x128xi32, #tpu.memory_space<vmem>> -> memref<128xi32, #tpu.memory_space<vmem>>
    %dma_start3A_43 = arith.constant 0 : i32
    %dma_start3A_44 = arith.constant 0 : i32
    %dma_start3A_45 = tpu.memref_slice %arg2[%dma_start3A_43, %dma_start3A_44] : memref<2600000x32xf32, #tpu.memory_space<hbm>> -> memref<2600000x32xf32, #tpu.memory_space<hbm>>
    tpu.enqueue_indirect_dma source(%dma_start3A_45 : memref<2600000x32xf32, #tpu.memory_space<hbm>>) target(%arg11 : memref<128x32xf32, #tpu.memory_space<vmem>>) offsets(%dma_start3A_42 : memref<128xi32, #tpu.memory_space<vmem>>) semaphore(%arg19 : memref<!tpu.dma_semaphore, #tpu.memory_space<semaphore_mem>>)
    %dma_start3A_46 = arith.constant 6 : i32
    %dma_start3A_47 = arith.constant 0 : i32
    %dma_start3A_48 = tpu.memref_slice %arg5[%dma_start3A_46, %dma_start3A_47] : memref<104x128xi32, #tpu.memory_space<vmem>> -> memref<1x128xi32, #tpu.memory_space<vmem>>
    %dma_start3A_49 = tpu.memref_squeeze %dma_start3A_48 : memref<1x128xi32, #tpu.memory_space<vmem>> -> memref<128xi32, #tpu.memory_space<vmem>>
    %dma_start3A_50 = arith.constant 0 : i32
    %dma_start3A_51 = arith.constant 0 : i32
    %dma_start3A_52 = tpu.memref_slice %arg2[%dma_start3A_50, %dma_start3A_51] : memref<2600000x32xf32, #tpu.memory_space<hbm>> -> memref<2600000x32xf32, #tpu.memory_space<hbm>>
    tpu.enqueue_indirect_dma source(%dma_start3A_52 : memref<2600000x32xf32, #tpu.memory_space<hbm>>) target(%arg12 : memref<128x32xf32, #tpu.memory_space<vmem>>) offsets(%dma_start3A_49 : memref<128xi32, #tpu.memory_space<vmem>>) semaphore(%arg20 : memref<!tpu.dma_semaphore, #tpu.memory_space<semaphore_mem>>)
    %dma_start3A_53 = arith.constant 7 : i32
    %dma_start3A_54 = arith.constant 0 : i32
    %dma_start3A_55 = tpu.memref_slice %arg5[%dma_start3A_53, %dma_start3A_54] : memref<104x128xi32, #tpu.memory_space<vmem>> -> memref<1x128xi32, #tpu.memory_space<vmem>>
    %dma_start3A_56 = tpu.memref_squeeze %dma_start3A_55 : memref<1x128xi32, #tpu.memory_space<vmem>> -> memref<128xi32, #tpu.memory_space<vmem>>
    %dma_start3A_57 = arith.constant 0 : i32
    %dma_start3A_58 = arith.constant 0 : i32
    %dma_start3A_59 = tpu.memref_slice %arg2[%dma_start3A_57, %dma_start3A_58] : memref<2600000x32xf32, #tpu.memory_space<hbm>> -> memref<2600000x32xf32, #tpu.memory_space<hbm>>
    tpu.enqueue_indirect_dma source(%dma_start3A_59 : memref<2600000x32xf32, #tpu.memory_space<hbm>>) target(%arg13 : memref<128x32xf32, #tpu.memory_space<vmem>>) offsets(%dma_start3A_56 : memref<128xi32, #tpu.memory_space<vmem>>) semaphore(%arg21 : memref<!tpu.dma_semaphore, #tpu.memory_space<semaphore_mem>>)
    %scan3A = arith.constant 0 : i32
    %scan3A_60 = arith.constant 0 : i32
    %scan3A_61 = arith.constant 12 : i32
    %scan3A_62 = arith.addi %scan3A_60, %scan3A_61 : i32
    %scan3A_63 = arith.constant 1 : i32
    scf.for %scan3A_216 = %scan3A_60 to %scan3A_62 step %scan3A_63  : i32 {
      %mul3A_217 = arith.constant 8 : i32
      %mul3A_218 = arith.muli %scan3A_216, %mul3A_217 : i32
      %add3A_219 = arith.constant 0 : i32
      %add3A_220 = arith.addi %mul3A_218, %add3A_219 : i32
      %dma_wait3A_221 = arith.constant 0 : i32
      %dma_wait3A_222 = tpu.memref_slice %arg5[%add3A_220, %dma_wait3A_221] : memref<104x128xi32, #tpu.memory_space<vmem>> -> memref<1x128xi32, #tpu.memory_space<vmem>>
      %dma_wait3A_223 = tpu.memref_squeeze %dma_wait3A_222 : memref<1x128xi32, #tpu.memory_space<vmem>> -> memref<128xi32, #tpu.memory_space<vmem>>
      %dma_wait3A_224 = arith.constant 0 : i32
      %dma_wait3A_225 = arith.constant 0 : i32
      %dma_wait3A_226 = tpu.memref_slice %arg2[%dma_wait3A_224, %dma_wait3A_225] : memref<2600000x32xf32, #tpu.memory_space<hbm>> -> memref<2600000x32xf32, #tpu.memory_space<hbm>>
      tpu.wait_indirect_dma semaphore(%arg14 : memref<!tpu.dma_semaphore, #tpu.memory_space<semaphore_mem>>) src(%dma_wait3A_226 : memref<2600000x32xf32, #tpu.memory_space<hbm>>) dst(%arg6 : memref<128x32xf32, #tpu.memory_space<vmem>>)
      %mul3A_227 = arith.constant 128 : i32
      %mul3A_228 = arith.muli %add3A_220, %mul3A_227 : i32
      %add3A_229 = arith.addi %mul3A_4, %mul3A_228 : i32
      %dma_start3A_230 = arith.constant 0 : i32
      %dma_start3A_231 = tpu.memref_slice %arg4[%add3A_229, %dma_start3A_230] : memref<425984x32xf32, #tpu.memory_space<hbm>> -> memref<128x32xf32, #tpu.memory_space<hbm>>
      %dma_start3A_232 = arith.constant 0 : i32
      %dma_start3A_233 = tpu.memref_slice %arg4[%add3A_229, %dma_start3A_232] : memref<425984x32xf32, #tpu.memory_space<hbm>> -> memref<128x32xf32, #tpu.memory_space<hbm>>
      tpu.enqueue_dma source(%arg6 : memref<128x32xf32, #tpu.memory_space<vmem>>) target(%dma_start3A_233 : memref<128x32xf32, #tpu.memory_space<hbm>>) target_semaphore(%arg22 : memref<!tpu.dma_semaphore, #tpu.memory_space<semaphore_mem>>)
      %add3A_234 = arith.constant 1 : i32
      %add3A_235 = arith.addi %mul3A_218, %add3A_234 : i32
      %dma_wait3A_236 = arith.constant 0 : i32
      %dma_wait3A_237 = tpu.memref_slice %arg5[%add3A_235, %dma_wait3A_236] : memref<104x128xi32, #tpu.memory_space<vmem>> -> memref<1x128xi32, #tpu.memory_space<vmem>>
      %dma_wait3A_238 = tpu.memref_squeeze %dma_wait3A_237 : memref<1x128xi32, #tpu.memory_space<vmem>> -> memref<128xi32, #tpu.memory_space<vmem>>
      %dma_wait3A_239 = arith.constant 0 : i32
      %dma_wait3A_240 = arith.constant 0 : i32
      %dma_wait3A_241 = tpu.memref_slice %arg2[%dma_wait3A_239, %dma_wait3A_240] : memref<2600000x32xf32, #tpu.memory_space<hbm>> -> memref<2600000x32xf32, #tpu.memory_space<hbm>>
      tpu.wait_indirect_dma semaphore(%arg15 : memref<!tpu.dma_semaphore, #tpu.memory_space<semaphore_mem>>) src(%dma_wait3A_241 : memref<2600000x32xf32, #tpu.memory_space<hbm>>) dst(%arg7 : memref<128x32xf32, #tpu.memory_space<vmem>>)
      %mul3A_242 = arith.constant 128 : i32
      %mul3A_243 = arith.muli %add3A_235, %mul3A_242 : i32
      %add3A_244 = arith.addi %mul3A_4, %mul3A_243 : i32
      %dma_start3A_245 = arith.constant 0 : i32
      %dma_start3A_246 = tpu.memref_slice %arg4[%add3A_244, %dma_start3A_245] : memref<425984x32xf32, #tpu.memory_space<hbm>> -> memref<128x32xf32, #tpu.memory_space<hbm>>
      %dma_start3A_247 = arith.constant 0 : i32
      %dma_start3A_248 = tpu.memref_slice %arg4[%add3A_244, %dma_start3A_247] : memref<425984x32xf32, #tpu.memory_space<hbm>> -> memref<128x32xf32, #tpu.memory_space<hbm>>
      tpu.enqueue_dma source(%arg7 : memref<128x32xf32, #tpu.memory_space<vmem>>) target(%dma_start3A_248 : memref<128x32xf32, #tpu.memory_space<hbm>>) target_semaphore(%arg23 : memref<!tpu.dma_semaphore, #tpu.memory_space<semaphore_mem>>)
      %add3A_249 = arith.constant 2 : i32
      %add3A_250 = arith.addi %mul3A_218, %add3A_249 : i32
      %dma_wait3A_251 = arith.constant 0 : i32
      %dma_wait3A_252 = tpu.memref_slice %arg5[%add3A_250, %dma_wait3A_251] : memref<104x128xi32, #tpu.memory_space<vmem>> -> memref<1x128xi32, #tpu.memory_space<vmem>>
      %dma_wait3A_253 = tpu.memref_squeeze %dma_wait3A_252 : memref<1x128xi32, #tpu.memory_space<vmem>> -> memref<128xi32, #tpu.memory_space<vmem>>
      %dma_wait3A_254 = arith.constant 0 : i32
      %dma_wait3A_255 = arith.constant 0 : i32
      %dma_wait3A_256 = tpu.memref_slice %arg2[%dma_wait3A_254, %dma_wait3A_255] : memref<2600000x32xf32, #tpu.memory_space<hbm>> -> memref<2600000x32xf32, #tpu.memory_space<hbm>>
      tpu.wait_indirect_dma semaphore(%arg16 : memref<!tpu.dma_semaphore, #tpu.memory_space<semaphore_mem>>) src(%dma_wait3A_256 : memref<2600000x32xf32, #tpu.memory_space<hbm>>) dst(%arg8 : memref<128x32xf32, #tpu.memory_space<vmem>>)
      %mul3A_257 = arith.constant 128 : i32
      %mul3A_258 = arith.muli %add3A_250, %mul3A_257 : i32
      %add3A_259 = arith.addi %mul3A_4, %mul3A_258 : i32
      %dma_start3A_260 = arith.constant 0 : i32
      %dma_start3A_261 = tpu.memref_slice %arg4[%add3A_259, %dma_start3A_260] : memref<425984x32xf32, #tpu.memory_space<hbm>> -> memref<128x32xf32, #tpu.memory_space<hbm>>
      %dma_start3A_262 = arith.constant 0 : i32
      %dma_start3A_263 = tpu.memref_slice %arg4[%add3A_259, %dma_start3A_262] : memref<425984x32xf32, #tpu.memory_space<hbm>> -> memref<128x32xf32, #tpu.memory_space<hbm>>
      tpu.enqueue_dma source(%arg8 : memref<128x32xf32, #tpu.memory_space<vmem>>) target(%dma_start3A_263 : memref<128x32xf32, #tpu.memory_space<hbm>>) target_semaphore(%arg24 : memref<!tpu.dma_semaphore, #tpu.memory_space<semaphore_mem>>)
      %add3A_264 = arith.constant 3 : i32
      %add3A_265 = arith.addi %mul3A_218, %add3A_264 : i32
      %dma_wait3A_266 = arith.constant 0 : i32
      %dma_wait3A_267 = tpu.memref_slice %arg5[%add3A_265, %dma_wait3A_266] : memref<104x128xi32, #tpu.memory_space<vmem>> -> memref<1x128xi32, #tpu.memory_space<vmem>>
      %dma_wait3A_268 = tpu.memref_squeeze %dma_wait3A_267 : memref<1x128xi32, #tpu.memory_space<vmem>> -> memref<128xi32, #tpu.memory_space<vmem>>
      %dma_wait3A_269 = arith.constant 0 : i32
      %dma_wait3A_270 = arith.constant 0 : i32
      %dma_wait3A_271 = tpu.memref_slice %arg2[%dma_wait3A_269, %dma_wait3A_270] : memref<2600000x32xf32, #tpu.memory_space<hbm>> -> memref<2600000x32xf32, #tpu.memory_space<hbm>>
      tpu.wait_indirect_dma semaphore(%arg17 : memref<!tpu.dma_semaphore, #tpu.memory_space<semaphore_mem>>) src(%dma_wait3A_271 : memref<2600000x32xf32, #tpu.memory_space<hbm>>) dst(%arg9 : memref<128x32xf32, #tpu.memory_space<vmem>>)
      %mul3A_272 = arith.constant 128 : i32
      %mul3A_273 = arith.muli %add3A_265, %mul3A_272 : i32
      %add3A_274 = arith.addi %mul3A_4, %mul3A_273 : i32
      %dma_start3A_275 = arith.constant 0 : i32
      %dma_start3A_276 = tpu.memref_slice %arg4[%add3A_274, %dma_start3A_275] : memref<425984x32xf32, #tpu.memory_space<hbm>> -> memref<128x32xf32, #tpu.memory_space<hbm>>
      %dma_start3A_277 = arith.constant 0 : i32
      %dma_start3A_278 = tpu.memref_slice %arg4[%add3A_274, %dma_start3A_277] : memref<425984x32xf32, #tpu.memory_space<hbm>> -> memref<128x32xf32, #tpu.memory_space<hbm>>
      tpu.enqueue_dma source(%arg9 : memref<128x32xf32, #tpu.memory_space<vmem>>) target(%dma_start3A_278 : memref<128x32xf32, #tpu.memory_space<hbm>>) target_semaphore(%arg25 : memref<!tpu.dma_semaphore, #tpu.memory_space<semaphore_mem>>)
      %add3A_279 = arith.constant 4 : i32
      %add3A_280 = arith.addi %mul3A_218, %add3A_279 : i32
      %dma_wait3A_281 = arith.constant 0 : i32
      %dma_wait3A_282 = tpu.memref_slice %arg5[%add3A_280, %dma_wait3A_281] : memref<104x128xi32, #tpu.memory_space<vmem>> -> memref<1x128xi32, #tpu.memory_space<vmem>>
      %dma_wait3A_283 = tpu.memref_squeeze %dma_wait3A_282 : memref<1x128xi32, #tpu.memory_space<vmem>> -> memref<128xi32, #tpu.memory_space<vmem>>
      %dma_wait3A_284 = arith.constant 0 : i32
      %dma_wait3A_285 = arith.constant 0 : i32
      %dma_wait3A_286 = tpu.memref_slice %arg2[%dma_wait3A_284, %dma_wait3A_285] : memref<2600000x32xf32, #tpu.memory_space<hbm>> -> memref<2600000x32xf32, #tpu.memory_space<hbm>>
      tpu.wait_indirect_dma semaphore(%arg18 : memref<!tpu.dma_semaphore, #tpu.memory_space<semaphore_mem>>) src(%dma_wait3A_286 : memref<2600000x32xf32, #tpu.memory_space<hbm>>) dst(%arg10 : memref<128x32xf32, #tpu.memory_space<vmem>>)
      %mul3A_287 = arith.constant 128 : i32
      %mul3A_288 = arith.muli %add3A_280, %mul3A_287 : i32
      %add3A_289 = arith.addi %mul3A_4, %mul3A_288 : i32
      %dma_start3A_290 = arith.constant 0 : i32
      %dma_start3A_291 = tpu.memref_slice %arg4[%add3A_289, %dma_start3A_290] : memref<425984x32xf32, #tpu.memory_space<hbm>> -> memref<128x32xf32, #tpu.memory_space<hbm>>
      %dma_start3A_292 = arith.constant 0 : i32
      %dma_start3A_293 = tpu.memref_slice %arg4[%add3A_289, %dma_start3A_292] : memref<425984x32xf32, #tpu.memory_space<hbm>> -> memref<128x32xf32, #tpu.memory_space<hbm>>
      tpu.enqueue_dma source(%arg10 : memref<128x32xf32, #tpu.memory_space<vmem>>) target(%dma_start3A_293 : memref<128x32xf32, #tpu.memory_space<hbm>>) target_semaphore(%arg26 : memref<!tpu.dma_semaphore, #tpu.memory_space<semaphore_mem>>)
      %add3A_294 = arith.constant 5 : i32
      %add3A_295 = arith.addi %mul3A_218, %add3A_294 : i32
      %dma_wait3A_296 = arith.constant 0 : i32
      %dma_wait3A_297 = tpu.memref_slice %arg5[%add3A_295, %dma_wait3A_296] : memref<104x128xi32, #tpu.memory_space<vmem>> -> memref<1x128xi32, #tpu.memory_space<vmem>>
      %dma_wait3A_298 = tpu.memref_squeeze %dma_wait3A_297 : memref<1x128xi32, #tpu.memory_space<vmem>> -> memref<128xi32, #tpu.memory_space<vmem>>
      %dma_wait3A_299 = arith.constant 0 : i32
      %dma_wait3A_300 = arith.constant 0 : i32
      %dma_wait3A_301 = tpu.memref_slice %arg2[%dma_wait3A_299, %dma_wait3A_300] : memref<2600000x32xf32, #tpu.memory_space<hbm>> -> memref<2600000x32xf32, #tpu.memory_space<hbm>>
      tpu.wait_indirect_dma semaphore(%arg19 : memref<!tpu.dma_semaphore, #tpu.memory_space<semaphore_mem>>) src(%dma_wait3A_301 : memref<2600000x32xf32, #tpu.memory_space<hbm>>) dst(%arg11 : memref<128x32xf32, #tpu.memory_space<vmem>>)
      %mul3A_302 = arith.constant 128 : i32
      %mul3A_303 = arith.muli %add3A_295, %mul3A_302 : i32
      %add3A_304 = arith.addi %mul3A_4, %mul3A_303 : i32
      %dma_start3A_305 = arith.constant 0 : i32
      %dma_start3A_306 = tpu.memref_slice %arg4[%add3A_304, %dma_start3A_305] : memref<425984x32xf32, #tpu.memory_space<hbm>> -> memref<128x32xf32, #tpu.memory_space<hbm>>
      %dma_start3A_307 = arith.constant 0 : i32
      %dma_start3A_308 = tpu.memref_slice %arg4[%add3A_304, %dma_start3A_307] : memref<425984x32xf32, #tpu.memory_space<hbm>> -> memref<128x32xf32, #tpu.memory_space<hbm>>
      tpu.enqueue_dma source(%arg11 : memref<128x32xf32, #tpu.memory_space<vmem>>) target(%dma_start3A_308 : memref<128x32xf32, #tpu.memory_space<hbm>>) target_semaphore(%arg27 : memref<!tpu.dma_semaphore, #tpu.memory_space<semaphore_mem>>)
      %add3A_309 = arith.constant 6 : i32
      %add3A_310 = arith.addi %mul3A_218, %add3A_309 : i32
      %dma_wait3A_311 = arith.constant 0 : i32
      %dma_wait3A_312 = tpu.memref_slice %arg5[%add3A_310, %dma_wait3A_311] : memref<104x128xi32, #tpu.memory_space<vmem>> -> memref<1x128xi32, #tpu.memory_space<vmem>>
      %dma_wait3A_313 = tpu.memref_squeeze %dma_wait3A_312 : memref<1x128xi32, #tpu.memory_space<vmem>> -> memref<128xi32, #tpu.memory_space<vmem>>
      %dma_wait3A_314 = arith.constant 0 : i32
      %dma_wait3A_315 = arith.constant 0 : i32
      %dma_wait3A_316 = tpu.memref_slice %arg2[%dma_wait3A_314, %dma_wait3A_315] : memref<2600000x32xf32, #tpu.memory_space<hbm>> -> memref<2600000x32xf32, #tpu.memory_space<hbm>>
      tpu.wait_indirect_dma semaphore(%arg20 : memref<!tpu.dma_semaphore, #tpu.memory_space<semaphore_mem>>) src(%dma_wait3A_316 : memref<2600000x32xf32, #tpu.memory_space<hbm>>) dst(%arg12 : memref<128x32xf32, #tpu.memory_space<vmem>>)
      %mul3A_317 = arith.constant 128 : i32
      %mul3A_318 = arith.muli %add3A_310, %mul3A_317 : i32
      %add3A_319 = arith.addi %mul3A_4, %mul3A_318 : i32
      %dma_start3A_320 = arith.constant 0 : i32
      %dma_start3A_321 = tpu.memref_slice %arg4[%add3A_319, %dma_start3A_320] : memref<425984x32xf32, #tpu.memory_space<hbm>> -> memref<128x32xf32, #tpu.memory_space<hbm>>
      %dma_start3A_322 = arith.constant 0 : i32
      %dma_start3A_323 = tpu.memref_slice %arg4[%add3A_319, %dma_start3A_322] : memref<425984x32xf32, #tpu.memory_space<hbm>> -> memref<128x32xf32, #tpu.memory_space<hbm>>
      tpu.enqueue_dma source(%arg12 : memref<128x32xf32, #tpu.memory_space<vmem>>) target(%dma_start3A_323 : memref<128x32xf32, #tpu.memory_space<hbm>>) target_semaphore(%arg28 : memref<!tpu.dma_semaphore, #tpu.memory_space<semaphore_mem>>)
      %add3A_324 = arith.constant 7 : i32
      %add3A_325 = arith.addi %mul3A_218, %add3A_324 : i32
      %dma_wait3A_326 = arith.constant 0 : i32
      %dma_wait3A_327 = tpu.memref_slice %arg5[%add3A_325, %dma_wait3A_326] : memref<104x128xi32, #tpu.memory_space<vmem>> -> memref<1x128xi32, #tpu.memory_space<vmem>>
      %dma_wait3A_328 = tpu.memref_squeeze %dma_wait3A_327 : memref<1x128xi32, #tpu.memory_space<vmem>> -> memref<128xi32, #tpu.memory_space<vmem>>
      %dma_wait3A_329 = arith.constant 0 : i32
      %dma_wait3A_330 = arith.constant 0 : i32
      %dma_wait3A_331 = tpu.memref_slice %arg2[%dma_wait3A_329, %dma_wait3A_330] : memref<2600000x32xf32, #tpu.memory_space<hbm>> -> memref<2600000x32xf32, #tpu.memory_space<hbm>>
      tpu.wait_indirect_dma semaphore(%arg21 : memref<!tpu.dma_semaphore, #tpu.memory_space<semaphore_mem>>) src(%dma_wait3A_331 : memref<2600000x32xf32, #tpu.memory_space<hbm>>) dst(%arg13 : memref<128x32xf32, #tpu.memory_space<vmem>>)
      %mul3A_332 = arith.constant 128 : i32
      %mul3A_333 = arith.muli %add3A_325, %mul3A_332 : i32
      %add3A_334 = arith.addi %mul3A_4, %mul3A_333 : i32
      %dma_start3A_335 = arith.constant 0 : i32
      %dma_start3A_336 = tpu.memref_slice %arg4[%add3A_334, %dma_start3A_335] : memref<425984x32xf32, #tpu.memory_space<hbm>> -> memref<128x32xf32, #tpu.memory_space<hbm>>
      %dma_start3A_337 = arith.constant 0 : i32
      %dma_start3A_338 = tpu.memref_slice %arg4[%add3A_334, %dma_start3A_337] : memref<425984x32xf32, #tpu.memory_space<hbm>> -> memref<128x32xf32, #tpu.memory_space<hbm>>
      tpu.enqueue_dma source(%arg13 : memref<128x32xf32, #tpu.memory_space<vmem>>) target(%dma_start3A_338 : memref<128x32xf32, #tpu.memory_space<hbm>>) target_semaphore(%arg29 : memref<!tpu.dma_semaphore, #tpu.memory_space<semaphore_mem>>)
      %add3A_339 = arith.constant 0 : i32
      %add3A_340 = arith.addi %mul3A_218, %add3A_339 : i32
      %mul3A_341 = arith.constant 128 : i32
      %mul3A_342 = arith.muli %add3A_340, %mul3A_341 : i32
      %add3A_343 = arith.addi %mul3A_4, %mul3A_342 : i32
      %dma_wait3A_344 = arith.constant 0 : i32
      %dma_wait3A_345 = tpu.memref_slice %arg4[%add3A_343, %dma_wait3A_344] : memref<425984x32xf32, #tpu.memory_space<hbm>> -> memref<128x32xf32, #tpu.memory_space<hbm>>
      %dma_wait3A_346 = arith.constant 0 : i32
      %dma_wait3A_347 = tpu.memref_slice %arg4[%add3A_343, %dma_wait3A_346] : memref<425984x32xf32, #tpu.memory_space<hbm>> -> memref<128x32xf32, #tpu.memory_space<hbm>>
      tpu.wait_dma2 semaphore(%arg22 : memref<!tpu.dma_semaphore, #tpu.memory_space<semaphore_mem>>) src(%arg6 : memref<128x32xf32, #tpu.memory_space<vmem>>) dst(%dma_wait3A_347 : memref<128x32xf32, #tpu.memory_space<hbm>>)
      %add3A_348 = arith.constant 8 : i32
      %add3A_349 = arith.addi %add3A_340, %add3A_348 : i32
      %dma_start3A_350 = arith.constant 0 : i32
      %dma_start3A_351 = tpu.memref_slice %arg5[%add3A_349, %dma_start3A_350] : memref<104x128xi32, #tpu.memory_space<vmem>> -> memref<1x128xi32, #tpu.memory_space<vmem>>
      %dma_start3A_352 = tpu.memref_squeeze %dma_start3A_351 : memref<1x128xi32, #tpu.memory_space<vmem>> -> memref<128xi32, #tpu.memory_space<vmem>>
      %dma_start3A_353 = arith.constant 0 : i32
      %dma_start3A_354 = arith.constant 0 : i32
      %dma_start3A_355 = tpu.memref_slice %arg2[%dma_start3A_353, %dma_start3A_354] : memref<2600000x32xf32, #tpu.memory_space<hbm>> -> memref<2600000x32xf32, #tpu.memory_space<hbm>>
      tpu.enqueue_indirect_dma source(%dma_start3A_355 : memref<2600000x32xf32, #tpu.memory_space<hbm>>) target(%arg6 : memref<128x32xf32, #tpu.memory_space<vmem>>) offsets(%dma_start3A_352 : memref<128xi32, #tpu.memory_space<vmem>>) semaphore(%arg14 : memref<!tpu.dma_semaphore, #tpu.memory_space<semaphore_mem>>)
      %add3A_356 = arith.constant 1 : i32
      %add3A_357 = arith.addi %mul3A_218, %add3A_356 : i32
      %mul3A_358 = arith.constant 128 : i32
      %mul3A_359 = arith.muli %add3A_357, %mul3A_358 : i32
      %add3A_360 = arith.addi %mul3A_4, %mul3A_359 : i32
      %dma_wait3A_361 = arith.constant 0 : i32
      %dma_wait3A_362 = tpu.memref_slice %arg4[%add3A_360, %dma_wait3A_361] : memref<425984x32xf32, #tpu.memory_space<hbm>> -> memref<128x32xf32, #tpu.memory_space<hbm>>
      %dma_wait3A_363 = arith.constant 0 : i32
      %dma_wait3A_364 = tpu.memref_slice %arg4[%add3A_360, %dma_wait3A_363] : memref<425984x32xf32, #tpu.memory_space<hbm>> -> memref<128x32xf32, #tpu.memory_space<hbm>>
      tpu.wait_dma2 semaphore(%arg23 : memref<!tpu.dma_semaphore, #tpu.memory_space<semaphore_mem>>) src(%arg7 : memref<128x32xf32, #tpu.memory_space<vmem>>) dst(%dma_wait3A_364 : memref<128x32xf32, #tpu.memory_space<hbm>>)
      %add3A_365 = arith.constant 8 : i32
      %add3A_366 = arith.addi %add3A_357, %add3A_365 : i32
      %dma_start3A_367 = arith.constant 0 : i32
      %dma_start3A_368 = tpu.memref_slice %arg5[%add3A_366, %dma_start3A_367] : memref<104x128xi32, #tpu.memory_space<vmem>> -> memref<1x128xi32, #tpu.memory_space<vmem>>
      %dma_start3A_369 = tpu.memref_squeeze %dma_start3A_368 : memref<1x128xi32, #tpu.memory_space<vmem>> -> memref<128xi32, #tpu.memory_space<vmem>>
      %dma_start3A_370 = arith.constant 0 : i32
      %dma_start3A_371 = arith.constant 0 : i32
      %dma_start3A_372 = tpu.memref_slice %arg2[%dma_start3A_370, %dma_start3A_371] : memref<2600000x32xf32, #tpu.memory_space<hbm>> -> memref<2600000x32xf32, #tpu.memory_space<hbm>>
      tpu.enqueue_indirect_dma source(%dma_start3A_372 : memref<2600000x32xf32, #tpu.memory_space<hbm>>) target(%arg7 : memref<128x32xf32, #tpu.memory_space<vmem>>) offsets(%dma_start3A_369 : memref<128xi32, #tpu.memory_space<vmem>>) semaphore(%arg15 : memref<!tpu.dma_semaphore, #tpu.memory_space<semaphore_mem>>)
      %add3A_373 = arith.constant 2 : i32
      %add3A_374 = arith.addi %mul3A_218, %add3A_373 : i32
      %mul3A_375 = arith.constant 128 : i32
      %mul3A_376 = arith.muli %add3A_374, %mul3A_375 : i32
      %add3A_377 = arith.addi %mul3A_4, %mul3A_376 : i32
      %dma_wait3A_378 = arith.constant 0 : i32
      %dma_wait3A_379 = tpu.memref_slice %arg4[%add3A_377, %dma_wait3A_378] : memref<425984x32xf32, #tpu.memory_space<hbm>> -> memref<128x32xf32, #tpu.memory_space<hbm>>
      %dma_wait3A_380 = arith.constant 0 : i32
      %dma_wait3A_381 = tpu.memref_slice %arg4[%add3A_377, %dma_wait3A_380] : memref<425984x32xf32, #tpu.memory_space<hbm>> -> memref<128x32xf32, #tpu.memory_space<hbm>>
      tpu.wait_dma2 semaphore(%arg24 : memref<!tpu.dma_semaphore, #tpu.memory_space<semaphore_mem>>) src(%arg8 : memref<128x32xf32, #tpu.memory_space<vmem>>) dst(%dma_wait3A_381 : memref<128x32xf32, #tpu.memory_space<hbm>>)
      %add3A_382 = arith.constant 8 : i32
      %add3A_383 = arith.addi %add3A_374, %add3A_382 : i32
      %dma_start3A_384 = arith.constant 0 : i32
      %dma_start3A_385 = tpu.memref_slice %arg5[%add3A_383, %dma_start3A_384] : memref<104x128xi32, #tpu.memory_space<vmem>> -> memref<1x128xi32, #tpu.memory_space<vmem>>
      %dma_start3A_386 = tpu.memref_squeeze %dma_start3A_385 : memref<1x128xi32, #tpu.memory_space<vmem>> -> memref<128xi32, #tpu.memory_space<vmem>>
      %dma_start3A_387 = arith.constant 0 : i32
      %dma_start3A_388 = arith.constant 0 : i32
      %dma_start3A_389 = tpu.memref_slice %arg2[%dma_start3A_387, %dma_start3A_388] : memref<2600000x32xf32, #tpu.memory_space<hbm>> -> memref<2600000x32xf32, #tpu.memory_space<hbm>>
      tpu.enqueue_indirect_dma source(%dma_start3A_389 : memref<2600000x32xf32, #tpu.memory_space<hbm>>) target(%arg8 : memref<128x32xf32, #tpu.memory_space<vmem>>) offsets(%dma_start3A_386 : memref<128xi32, #tpu.memory_space<vmem>>) semaphore(%arg16 : memref<!tpu.dma_semaphore, #tpu.memory_space<semaphore_mem>>)
      %add3A_390 = arith.constant 3 : i32
      %add3A_391 = arith.addi %mul3A_218, %add3A_390 : i32
      %mul3A_392 = arith.constant 128 : i32
      %mul3A_393 = arith.muli %add3A_391, %mul3A_392 : i32
      %add3A_394 = arith.addi %mul3A_4, %mul3A_393 : i32
      %dma_wait3A_395 = arith.constant 0 : i32
      %dma_wait3A_396 = tpu.memref_slice %arg4[%add3A_394, %dma_wait3A_395] : memref<425984x32xf32, #tpu.memory_space<hbm>> -> memref<128x32xf32, #tpu.memory_space<hbm>>
      %dma_wait3A_397 = arith.constant 0 : i32
      %dma_wait3A_398 = tpu.memref_slice %arg4[%add3A_394, %dma_wait3A_397] : memref<425984x32xf32, #tpu.memory_space<hbm>> -> memref<128x32xf32, #tpu.memory_space<hbm>>
      tpu.wait_dma2 semaphore(%arg25 : memref<!tpu.dma_semaphore, #tpu.memory_space<semaphore_mem>>) src(%arg9 : memref<128x32xf32, #tpu.memory_space<vmem>>) dst(%dma_wait3A_398 : memref<128x32xf32, #tpu.memory_space<hbm>>)
      %add3A_399 = arith.constant 8 : i32
      %add3A_400 = arith.addi %add3A_391, %add3A_399 : i32
      %dma_start3A_401 = arith.constant 0 : i32
      %dma_start3A_402 = tpu.memref_slice %arg5[%add3A_400, %dma_start3A_401] : memref<104x128xi32, #tpu.memory_space<vmem>> -> memref<1x128xi32, #tpu.memory_space<vmem>>
      %dma_start3A_403 = tpu.memref_squeeze %dma_start3A_402 : memref<1x128xi32, #tpu.memory_space<vmem>> -> memref<128xi32, #tpu.memory_space<vmem>>
      %dma_start3A_404 = arith.constant 0 : i32
      %dma_start3A_405 = arith.constant 0 : i32
      %dma_start3A_406 = tpu.memref_slice %arg2[%dma_start3A_404, %dma_start3A_405] : memref<2600000x32xf32, #tpu.memory_space<hbm>> -> memref<2600000x32xf32, #tpu.memory_space<hbm>>
      tpu.enqueue_indirect_dma source(%dma_start3A_406 : memref<2600000x32xf32, #tpu.memory_space<hbm>>) target(%arg9 : memref<128x32xf32, #tpu.memory_space<vmem>>) offsets(%dma_start3A_403 : memref<128xi32, #tpu.memory_space<vmem>>) semaphore(%arg17 : memref<!tpu.dma_semaphore, #tpu.memory_space<semaphore_mem>>)
      %add3A_407 = arith.constant 4 : i32
      %add3A_408 = arith.addi %mul3A_218, %add3A_407 : i32
      %mul3A_409 = arith.constant 128 : i32
      %mul3A_410 = arith.muli %add3A_408, %mul3A_409 : i32
      %add3A_411 = arith.addi %mul3A_4, %mul3A_410 : i32
      %dma_wait3A_412 = arith.constant 0 : i32
      %dma_wait3A_413 = tpu.memref_slice %arg4[%add3A_411, %dma_wait3A_412] : memref<425984x32xf32, #tpu.memory_space<hbm>> -> memref<128x32xf32, #tpu.memory_space<hbm>>
      %dma_wait3A_414 = arith.constant 0 : i32
      %dma_wait3A_415 = tpu.memref_slice %arg4[%add3A_411, %dma_wait3A_414] : memref<425984x32xf32, #tpu.memory_space<hbm>> -> memref<128x32xf32, #tpu.memory_space<hbm>>
      tpu.wait_dma2 semaphore(%arg26 : memref<!tpu.dma_semaphore, #tpu.memory_space<semaphore_mem>>) src(%arg10 : memref<128x32xf32, #tpu.memory_space<vmem>>) dst(%dma_wait3A_415 : memref<128x32xf32, #tpu.memory_space<hbm>>)
      %add3A_416 = arith.constant 8 : i32
      %add3A_417 = arith.addi %add3A_408, %add3A_416 : i32
      %dma_start3A_418 = arith.constant 0 : i32
      %dma_start3A_419 = tpu.memref_slice %arg5[%add3A_417, %dma_start3A_418] : memref<104x128xi32, #tpu.memory_space<vmem>> -> memref<1x128xi32, #tpu.memory_space<vmem>>
      %dma_start3A_420 = tpu.memref_squeeze %dma_start3A_419 : memref<1x128xi32, #tpu.memory_space<vmem>> -> memref<128xi32, #tpu.memory_space<vmem>>
      %dma_start3A_421 = arith.constant 0 : i32
      %dma_start3A_422 = arith.constant 0 : i32
      %dma_start3A_423 = tpu.memref_slice %arg2[%dma_start3A_421, %dma_start3A_422] : memref<2600000x32xf32, #tpu.memory_space<hbm>> -> memref<2600000x32xf32, #tpu.memory_space<hbm>>
      tpu.enqueue_indirect_dma source(%dma_start3A_423 : memref<2600000x32xf32, #tpu.memory_space<hbm>>) target(%arg10 : memref<128x32xf32, #tpu.memory_space<vmem>>) offsets(%dma_start3A_420 : memref<128xi32, #tpu.memory_space<vmem>>) semaphore(%arg18 : memref<!tpu.dma_semaphore, #tpu.memory_space<semaphore_mem>>)
      %add3A_424 = arith.constant 5 : i32
      %add3A_425 = arith.addi %mul3A_218, %add3A_424 : i32
      %mul3A_426 = arith.constant 128 : i32
      %mul3A_427 = arith.muli %add3A_425, %mul3A_426 : i32
      %add3A_428 = arith.addi %mul3A_4, %mul3A_427 : i32
      %dma_wait3A_429 = arith.constant 0 : i32
      %dma_wait3A_430 = tpu.memref_slice %arg4[%add3A_428, %dma_wait3A_429] : memref<425984x32xf32, #tpu.memory_space<hbm>> -> memref<128x32xf32, #tpu.memory_space<hbm>>
      %dma_wait3A_431 = arith.constant 0 : i32
      %dma_wait3A_432 = tpu.memref_slice %arg4[%add3A_428, %dma_wait3A_431] : memref<425984x32xf32, #tpu.memory_space<hbm>> -> memref<128x32xf32, #tpu.memory_space<hbm>>
      tpu.wait_dma2 semaphore(%arg27 : memref<!tpu.dma_semaphore, #tpu.memory_space<semaphore_mem>>) src(%arg11 : memref<128x32xf32, #tpu.memory_space<vmem>>) dst(%dma_wait3A_432 : memref<128x32xf32, #tpu.memory_space<hbm>>)
      %add3A_433 = arith.constant 8 : i32
      %add3A_434 = arith.addi %add3A_425, %add3A_433 : i32
      %dma_start3A_435 = arith.constant 0 : i32
      %dma_start3A_436 = tpu.memref_slice %arg5[%add3A_434, %dma_start3A_435] : memref<104x128xi32, #tpu.memory_space<vmem>> -> memref<1x128xi32, #tpu.memory_space<vmem>>
      %dma_start3A_437 = tpu.memref_squeeze %dma_start3A_436 : memref<1x128xi32, #tpu.memory_space<vmem>> -> memref<128xi32, #tpu.memory_space<vmem>>
      %dma_start3A_438 = arith.constant 0 : i32
      %dma_start3A_439 = arith.constant 0 : i32
      %dma_start3A_440 = tpu.memref_slice %arg2[%dma_start3A_438, %dma_start3A_439] : memref<2600000x32xf32, #tpu.memory_space<hbm>> -> memref<2600000x32xf32, #tpu.memory_space<hbm>>
      tpu.enqueue_indirect_dma source(%dma_start3A_440 : memref<2600000x32xf32, #tpu.memory_space<hbm>>) target(%arg11 : memref<128x32xf32, #tpu.memory_space<vmem>>) offsets(%dma_start3A_437 : memref<128xi32, #tpu.memory_space<vmem>>) semaphore(%arg19 : memref<!tpu.dma_semaphore, #tpu.memory_space<semaphore_mem>>)
      %add3A_441 = arith.constant 6 : i32
      %add3A_442 = arith.addi %mul3A_218, %add3A_441 : i32
      %mul3A_443 = arith.constant 128 : i32
      %mul3A_444 = arith.muli %add3A_442, %mul3A_443 : i32
      %add3A_445 = arith.addi %mul3A_4, %mul3A_444 : i32
      %dma_wait3A_446 = arith.constant 0 : i32
      %dma_wait3A_447 = tpu.memref_slice %arg4[%add3A_445, %dma_wait3A_446] : memref<425984x32xf32, #tpu.memory_space<hbm>> -> memref<128x32xf32, #tpu.memory_space<hbm>>
      %dma_wait3A_448 = arith.constant 0 : i32
      %dma_wait3A_449 = tpu.memref_slice %arg4[%add3A_445, %dma_wait3A_448] : memref<425984x32xf32, #tpu.memory_space<hbm>> -> memref<128x32xf32, #tpu.memory_space<hbm>>
      tpu.wait_dma2 semaphore(%arg28 : memref<!tpu.dma_semaphore, #tpu.memory_space<semaphore_mem>>) src(%arg12 : memref<128x32xf32, #tpu.memory_space<vmem>>) dst(%dma_wait3A_449 : memref<128x32xf32, #tpu.memory_space<hbm>>)
      %add3A_450 = arith.constant 8 : i32
      %add3A_451 = arith.addi %add3A_442, %add3A_450 : i32
      %dma_start3A_452 = arith.constant 0 : i32
      %dma_start3A_453 = tpu.memref_slice %arg5[%add3A_451, %dma_start3A_452] : memref<104x128xi32, #tpu.memory_space<vmem>> -> memref<1x128xi32, #tpu.memory_space<vmem>>
      %dma_start3A_454 = tpu.memref_squeeze %dma_start3A_453 : memref<1x128xi32, #tpu.memory_space<vmem>> -> memref<128xi32, #tpu.memory_space<vmem>>
      %dma_start3A_455 = arith.constant 0 : i32
      %dma_start3A_456 = arith.constant 0 : i32
      %dma_start3A_457 = tpu.memref_slice %arg2[%dma_start3A_455, %dma_start3A_456] : memref<2600000x32xf32, #tpu.memory_space<hbm>> -> memref<2600000x32xf32, #tpu.memory_space<hbm>>
      tpu.enqueue_indirect_dma source(%dma_start3A_457 : memref<2600000x32xf32, #tpu.memory_space<hbm>>) target(%arg12 : memref<128x32xf32, #tpu.memory_space<vmem>>) offsets(%dma_start3A_454 : memref<128xi32, #tpu.memory_space<vmem>>) semaphore(%arg20 : memref<!tpu.dma_semaphore, #tpu.memory_space<semaphore_mem>>)
      %add3A_458 = arith.constant 7 : i32
      %add3A_459 = arith.addi %mul3A_218, %add3A_458 : i32
      %mul3A_460 = arith.constant 128 : i32
      %mul3A_461 = arith.muli %add3A_459, %mul3A_460 : i32
      %add3A_462 = arith.addi %mul3A_4, %mul3A_461 : i32
      %dma_wait3A_463 = arith.constant 0 : i32
      %dma_wait3A_464 = tpu.memref_slice %arg4[%add3A_462, %dma_wait3A_463] : memref<425984x32xf32, #tpu.memory_space<hbm>> -> memref<128x32xf32, #tpu.memory_space<hbm>>
      %dma_wait3A_465 = arith.constant 0 : i32
      %dma_wait3A_466 = tpu.memref_slice %arg4[%add3A_462, %dma_wait3A_465] : memref<425984x32xf32, #tpu.memory_space<hbm>> -> memref<128x32xf32, #tpu.memory_space<hbm>>
      tpu.wait_dma2 semaphore(%arg29 : memref<!tpu.dma_semaphore, #tpu.memory_space<semaphore_mem>>) src(%arg13 : memref<128x32xf32, #tpu.memory_space<vmem>>) dst(%dma_wait3A_466 : memref<128x32xf32, #tpu.memory_space<hbm>>)
      %add3A_467 = arith.constant 8 : i32
      %add3A_468 = arith.addi %add3A_459, %add3A_467 : i32
      %dma_start3A_469 = arith.constant 0 : i32
      %dma_start3A_470 = tpu.memref_slice %arg5[%add3A_468, %dma_start3A_469] : memref<104x128xi32, #tpu.memory_space<vmem>> -> memref<1x128xi32, #tpu.memory_space<vmem>>
      %dma_start3A_471 = tpu.memref_squeeze %dma_start3A_470 : memref<1x128xi32, #tpu.memory_space<vmem>> -> memref<128xi32, #tpu.memory_space<vmem>>
      %dma_start3A_472 = arith.constant 0 : i32
      %dma_start3A_473 = arith.constant 0 : i32
      %dma_start3A_474 = tpu.memref_slice %arg2[%dma_start3A_472, %dma_start3A_473] : memref<2600000x32xf32, #tpu.memory_space<hbm>> -> memref<2600000x32xf32, #tpu.memory_space<hbm>>
      tpu.enqueue_indirect_dma source(%dma_start3A_474 : memref<2600000x32xf32, #tpu.memory_space<hbm>>) target(%arg13 : memref<128x32xf32, #tpu.memory_space<vmem>>) offsets(%dma_start3A_471 : memref<128xi32, #tpu.memory_space<vmem>>) semaphore(%arg21 : memref<!tpu.dma_semaphore, #tpu.memory_space<semaphore_mem>>)
    }
    %scan3A_64 = arith.constant 12 : i32
    %dma_wait3A = arith.constant 96 : i32
    %dma_wait3A_65 = arith.constant 0 : i32
    %dma_wait3A_66 = tpu.memref_slice %arg5[%dma_wait3A, %dma_wait3A_65] : memref<104x128xi32, #tpu.memory_space<vmem>> -> memref<1x128xi32, #tpu.memory_space<vmem>>
    %dma_wait3A_67 = tpu.memref_squeeze %dma_wait3A_66 : memref<1x128xi32, #tpu.memory_space<vmem>> -> memref<128xi32, #tpu.memory_space<vmem>>
    %dma_wait3A_68 = arith.constant 0 : i32
    %dma_wait3A_69 = arith.constant 0 : i32
    %dma_wait3A_70 = tpu.memref_slice %arg2[%dma_wait3A_68, %dma_wait3A_69] : memref<2600000x32xf32, #tpu.memory_space<hbm>> -> memref<2600000x32xf32, #tpu.memory_space<hbm>>
    tpu.wait_indirect_dma semaphore(%arg14 : memref<!tpu.dma_semaphore, #tpu.memory_space<semaphore_mem>>) src(%dma_wait3A_70 : memref<2600000x32xf32, #tpu.memory_space<hbm>>) dst(%arg6 : memref<128x32xf32, #tpu.memory_space<vmem>>)
    %add3A_71 = arith.constant 12288 : i32
    %add3A_72 = arith.addi %mul3A_4, %add3A_71 : i32
    %dma_start3A_73 = arith.constant 0 : i32
    %dma_start3A_74 = tpu.memref_slice %arg4[%add3A_72, %dma_start3A_73] : memref<425984x32xf32, #tpu.memory_space<hbm>> -> memref<128x32xf32, #tpu.memory_space<hbm>>
    %dma_start3A_75 = arith.constant 0 : i32
    %dma_start3A_76 = tpu.memref_slice %arg4[%add3A_72, %dma_start3A_75] : memref<425984x32xf32, #tpu.memory_space<hbm>> -> memref<128x32xf32, #tpu.memory_space<hbm>>
    tpu.enqueue_dma source(%arg6 : memref<128x32xf32, #tpu.memory_space<vmem>>) target(%dma_start3A_76 : memref<128x32xf32, #tpu.memory_space<hbm>>) target_semaphore(%arg22 : memref<!tpu.dma_semaphore, #tpu.memory_space<semaphore_mem>>)
    %dma_wait3A_77 = arith.constant 97 : i32
    %dma_wait3A_78 = arith.constant 0 : i32
    %dma_wait3A_79 = tpu.memref_slice %arg5[%dma_wait3A_77, %dma_wait3A_78] : memref<104x128xi32, #tpu.memory_space<vmem>> -> memref<1x128xi32, #tpu.memory_space<vmem>>
    %dma_wait3A_80 = tpu.memref_squeeze %dma_wait3A_79 : memref<1x128xi32, #tpu.memory_space<vmem>> -> memref<128xi32, #tpu.memory_space<vmem>>
    %dma_wait3A_81 = arith.constant 0 : i32
    %dma_wait3A_82 = arith.constant 0 : i32
    %dma_wait3A_83 = tpu.memref_slice %arg2[%dma_wait3A_81, %dma_wait3A_82] : memref<2600000x32xf32, #tpu.memory_space<hbm>> -> memref<2600000x32xf32, #tpu.memory_space<hbm>>
    tpu.wait_indirect_dma semaphore(%arg15 : memref<!tpu.dma_semaphore, #tpu.memory_space<semaphore_mem>>) src(%dma_wait3A_83 : memref<2600000x32xf32, #tpu.memory_space<hbm>>) dst(%arg7 : memref<128x32xf32, #tpu.memory_space<vmem>>)
    %add3A_84 = arith.constant 12416 : i32
    %add3A_85 = arith.addi %mul3A_4, %add3A_84 : i32
    %dma_start3A_86 = arith.constant 0 : i32
    %dma_start3A_87 = tpu.memref_slice %arg4[%add3A_85, %dma_start3A_86] : memref<425984x32xf32, #tpu.memory_space<hbm>> -> memref<128x32xf32, #tpu.memory_space<hbm>>
    %dma_start3A_88 = arith.constant 0 : i32
    %dma_start3A_89 = tpu.memref_slice %arg4[%add3A_85, %dma_start3A_88] : memref<425984x32xf32, #tpu.memory_space<hbm>> -> memref<128x32xf32, #tpu.memory_space<hbm>>
    tpu.enqueue_dma source(%arg7 : memref<128x32xf32, #tpu.memory_space<vmem>>) target(%dma_start3A_89 : memref<128x32xf32, #tpu.memory_space<hbm>>) target_semaphore(%arg23 : memref<!tpu.dma_semaphore, #tpu.memory_space<semaphore_mem>>)
    %dma_wait3A_90 = arith.constant 98 : i32
    %dma_wait3A_91 = arith.constant 0 : i32
    %dma_wait3A_92 = tpu.memref_slice %arg5[%dma_wait3A_90, %dma_wait3A_91] : memref<104x128xi32, #tpu.memory_space<vmem>> -> memref<1x128xi32, #tpu.memory_space<vmem>>
    %dma_wait3A_93 = tpu.memref_squeeze %dma_wait3A_92 : memref<1x128xi32, #tpu.memory_space<vmem>> -> memref<128xi32, #tpu.memory_space<vmem>>
    %dma_wait3A_94 = arith.constant 0 : i32
    %dma_wait3A_95 = arith.constant 0 : i32
    %dma_wait3A_96 = tpu.memref_slice %arg2[%dma_wait3A_94, %dma_wait3A_95] : memref<2600000x32xf32, #tpu.memory_space<hbm>> -> memref<2600000x32xf32, #tpu.memory_space<hbm>>
    tpu.wait_indirect_dma semaphore(%arg16 : memref<!tpu.dma_semaphore, #tpu.memory_space<semaphore_mem>>) src(%dma_wait3A_96 : memref<2600000x32xf32, #tpu.memory_space<hbm>>) dst(%arg8 : memref<128x32xf32, #tpu.memory_space<vmem>>)
    %add3A_97 = arith.constant 12544 : i32
    %add3A_98 = arith.addi %mul3A_4, %add3A_97 : i32
    %dma_start3A_99 = arith.constant 0 : i32
    %dma_start3A_100 = tpu.memref_slice %arg4[%add3A_98, %dma_start3A_99] : memref<425984x32xf32, #tpu.memory_space<hbm>> -> memref<128x32xf32, #tpu.memory_space<hbm>>
    %dma_start3A_101 = arith.constant 0 : i32
    %dma_start3A_102 = tpu.memref_slice %arg4[%add3A_98, %dma_start3A_101] : memref<425984x32xf32, #tpu.memory_space<hbm>> -> memref<128x32xf32, #tpu.memory_space<hbm>>
    tpu.enqueue_dma source(%arg8 : memref<128x32xf32, #tpu.memory_space<vmem>>) target(%dma_start3A_102 : memref<128x32xf32, #tpu.memory_space<hbm>>) target_semaphore(%arg24 : memref<!tpu.dma_semaphore, #tpu.memory_space<semaphore_mem>>)
    %dma_wait3A_103 = arith.constant 99 : i32
    %dma_wait3A_104 = arith.constant 0 : i32
    %dma_wait3A_105 = tpu.memref_slice %arg5[%dma_wait3A_103, %dma_wait3A_104] : memref<104x128xi32, #tpu.memory_space<vmem>> -> memref<1x128xi32, #tpu.memory_space<vmem>>
    %dma_wait3A_106 = tpu.memref_squeeze %dma_wait3A_105 : memref<1x128xi32, #tpu.memory_space<vmem>> -> memref<128xi32, #tpu.memory_space<vmem>>
    %dma_wait3A_107 = arith.constant 0 : i32
    %dma_wait3A_108 = arith.constant 0 : i32
    %dma_wait3A_109 = tpu.memref_slice %arg2[%dma_wait3A_107, %dma_wait3A_108] : memref<2600000x32xf32, #tpu.memory_space<hbm>> -> memref<2600000x32xf32, #tpu.memory_space<hbm>>
    tpu.wait_indirect_dma semaphore(%arg17 : memref<!tpu.dma_semaphore, #tpu.memory_space<semaphore_mem>>) src(%dma_wait3A_109 : memref<2600000x32xf32, #tpu.memory_space<hbm>>) dst(%arg9 : memref<128x32xf32, #tpu.memory_space<vmem>>)
    %add3A_110 = arith.constant 12672 : i32
    %add3A_111 = arith.addi %mul3A_4, %add3A_110 : i32
    %dma_start3A_112 = arith.constant 0 : i32
    %dma_start3A_113 = tpu.memref_slice %arg4[%add3A_111, %dma_start3A_112] : memref<425984x32xf32, #tpu.memory_space<hbm>> -> memref<128x32xf32, #tpu.memory_space<hbm>>
    %dma_start3A_114 = arith.constant 0 : i32
    %dma_start3A_115 = tpu.memref_slice %arg4[%add3A_111, %dma_start3A_114] : memref<425984x32xf32, #tpu.memory_space<hbm>> -> memref<128x32xf32, #tpu.memory_space<hbm>>
    tpu.enqueue_dma source(%arg9 : memref<128x32xf32, #tpu.memory_space<vmem>>) target(%dma_start3A_115 : memref<128x32xf32, #tpu.memory_space<hbm>>) target_semaphore(%arg25 : memref<!tpu.dma_semaphore, #tpu.memory_space<semaphore_mem>>)
    %dma_wait3A_116 = arith.constant 100 : i32
    %dma_wait3A_117 = arith.constant 0 : i32
    %dma_wait3A_118 = tpu.memref_slice %arg5[%dma_wait3A_116, %dma_wait3A_117] : memref<104x128xi32, #tpu.memory_space<vmem>> -> memref<1x128xi32, #tpu.memory_space<vmem>>
    %dma_wait3A_119 = tpu.memref_squeeze %dma_wait3A_118 : memref<1x128xi32, #tpu.memory_space<vmem>> -> memref<128xi32, #tpu.memory_space<vmem>>
    %dma_wait3A_120 = arith.constant 0 : i32
    %dma_wait3A_121 = arith.constant 0 : i32
    %dma_wait3A_122 = tpu.memref_slice %arg2[%dma_wait3A_120, %dma_wait3A_121] : memref<2600000x32xf32, #tpu.memory_space<hbm>> -> memref<2600000x32xf32, #tpu.memory_space<hbm>>
    tpu.wait_indirect_dma semaphore(%arg18 : memref<!tpu.dma_semaphore, #tpu.memory_space<semaphore_mem>>) src(%dma_wait3A_122 : memref<2600000x32xf32, #tpu.memory_space<hbm>>) dst(%arg10 : memref<128x32xf32, #tpu.memory_space<vmem>>)
    %add3A_123 = arith.constant 12800 : i32
    %add3A_124 = arith.addi %mul3A_4, %add3A_123 : i32
    %dma_start3A_125 = arith.constant 0 : i32
    %dma_start3A_126 = tpu.memref_slice %arg4[%add3A_124, %dma_start3A_125] : memref<425984x32xf32, #tpu.memory_space<hbm>> -> memref<128x32xf32, #tpu.memory_space<hbm>>
    %dma_start3A_127 = arith.constant 0 : i32
    %dma_start3A_128 = tpu.memref_slice %arg4[%add3A_124, %dma_start3A_127] : memref<425984x32xf32, #tpu.memory_space<hbm>> -> memref<128x32xf32, #tpu.memory_space<hbm>>
    tpu.enqueue_dma source(%arg10 : memref<128x32xf32, #tpu.memory_space<vmem>>) target(%dma_start3A_128 : memref<128x32xf32, #tpu.memory_space<hbm>>) target_semaphore(%arg26 : memref<!tpu.dma_semaphore, #tpu.memory_space<semaphore_mem>>)
    %dma_wait3A_129 = arith.constant 101 : i32
    %dma_wait3A_130 = arith.constant 0 : i32
    %dma_wait3A_131 = tpu.memref_slice %arg5[%dma_wait3A_129, %dma_wait3A_130] : memref<104x128xi32, #tpu.memory_space<vmem>> -> memref<1x128xi32, #tpu.memory_space<vmem>>
    %dma_wait3A_132 = tpu.memref_squeeze %dma_wait3A_131 : memref<1x128xi32, #tpu.memory_space<vmem>> -> memref<128xi32, #tpu.memory_space<vmem>>
    %dma_wait3A_133 = arith.constant 0 : i32
    %dma_wait3A_134 = arith.constant 0 : i32
    %dma_wait3A_135 = tpu.memref_slice %arg2[%dma_wait3A_133, %dma_wait3A_134] : memref<2600000x32xf32, #tpu.memory_space<hbm>> -> memref<2600000x32xf32, #tpu.memory_space<hbm>>
    tpu.wait_indirect_dma semaphore(%arg19 : memref<!tpu.dma_semaphore, #tpu.memory_space<semaphore_mem>>) src(%dma_wait3A_135 : memref<2600000x32xf32, #tpu.memory_space<hbm>>) dst(%arg11 : memref<128x32xf32, #tpu.memory_space<vmem>>)
    %add3A_136 = arith.constant 12928 : i32
    %add3A_137 = arith.addi %mul3A_4, %add3A_136 : i32
    %dma_start3A_138 = arith.constant 0 : i32
    %dma_start3A_139 = tpu.memref_slice %arg4[%add3A_137, %dma_start3A_138] : memref<425984x32xf32, #tpu.memory_space<hbm>> -> memref<128x32xf32, #tpu.memory_space<hbm>>
    %dma_start3A_140 = arith.constant 0 : i32
    %dma_start3A_141 = tpu.memref_slice %arg4[%add3A_137, %dma_start3A_140] : memref<425984x32xf32, #tpu.memory_space<hbm>> -> memref<128x32xf32, #tpu.memory_space<hbm>>
    tpu.enqueue_dma source(%arg11 : memref<128x32xf32, #tpu.memory_space<vmem>>) target(%dma_start3A_141 : memref<128x32xf32, #tpu.memory_space<hbm>>) target_semaphore(%arg27 : memref<!tpu.dma_semaphore, #tpu.memory_space<semaphore_mem>>)
    %dma_wait3A_142 = arith.constant 102 : i32
    %dma_wait3A_143 = arith.constant 0 : i32
    %dma_wait3A_144 = tpu.memref_slice %arg5[%dma_wait3A_142, %dma_wait3A_143] : memref<104x128xi32, #tpu.memory_space<vmem>> -> memref<1x128xi32, #tpu.memory_space<vmem>>
    %dma_wait3A_145 = tpu.memref_squeeze %dma_wait3A_144 : memref<1x128xi32, #tpu.memory_space<vmem>> -> memref<128xi32, #tpu.memory_space<vmem>>
    %dma_wait3A_146 = arith.constant 0 : i32
    %dma_wait3A_147 = arith.constant 0 : i32
    %dma_wait3A_148 = tpu.memref_slice %arg2[%dma_wait3A_146, %dma_wait3A_147] : memref<2600000x32xf32, #tpu.memory_space<hbm>> -> memref<2600000x32xf32, #tpu.memory_space<hbm>>
    tpu.wait_indirect_dma semaphore(%arg20 : memref<!tpu.dma_semaphore, #tpu.memory_space<semaphore_mem>>) src(%dma_wait3A_148 : memref<2600000x32xf32, #tpu.memory_space<hbm>>) dst(%arg12 : memref<128x32xf32, #tpu.memory_space<vmem>>)
    %add3A_149 = arith.constant 13056 : i32
    %add3A_150 = arith.addi %mul3A_4, %add3A_149 : i32
    %dma_start3A_151 = arith.constant 0 : i32
    %dma_start3A_152 = tpu.memref_slice %arg4[%add3A_150, %dma_start3A_151] : memref<425984x32xf32, #tpu.memory_space<hbm>> -> memref<128x32xf32, #tpu.memory_space<hbm>>
    %dma_start3A_153 = arith.constant 0 : i32
    %dma_start3A_154 = tpu.memref_slice %arg4[%add3A_150, %dma_start3A_153] : memref<425984x32xf32, #tpu.memory_space<hbm>> -> memref<128x32xf32, #tpu.memory_space<hbm>>
    tpu.enqueue_dma source(%arg12 : memref<128x32xf32, #tpu.memory_space<vmem>>) target(%dma_start3A_154 : memref<128x32xf32, #tpu.memory_space<hbm>>) target_semaphore(%arg28 : memref<!tpu.dma_semaphore, #tpu.memory_space<semaphore_mem>>)
    %dma_wait3A_155 = arith.constant 103 : i32
    %dma_wait3A_156 = arith.constant 0 : i32
    %dma_wait3A_157 = tpu.memref_slice %arg5[%dma_wait3A_155, %dma_wait3A_156] : memref<104x128xi32, #tpu.memory_space<vmem>> -> memref<1x128xi32, #tpu.memory_space<vmem>>
    %dma_wait3A_158 = tpu.memref_squeeze %dma_wait3A_157 : memref<1x128xi32, #tpu.memory_space<vmem>> -> memref<128xi32, #tpu.memory_space<vmem>>
    %dma_wait3A_159 = arith.constant 0 : i32
    %dma_wait3A_160 = arith.constant 0 : i32
    %dma_wait3A_161 = tpu.memref_slice %arg2[%dma_wait3A_159, %dma_wait3A_160] : memref<2600000x32xf32, #tpu.memory_space<hbm>> -> memref<2600000x32xf32, #tpu.memory_space<hbm>>
    tpu.wait_indirect_dma semaphore(%arg21 : memref<!tpu.dma_semaphore, #tpu.memory_space<semaphore_mem>>) src(%dma_wait3A_161 : memref<2600000x32xf32, #tpu.memory_space<hbm>>) dst(%arg13 : memref<128x32xf32, #tpu.memory_space<vmem>>)
    %add3A_162 = arith.constant 13184 : i32
    %add3A_163 = arith.addi %mul3A_4, %add3A_162 : i32
    %dma_start3A_164 = arith.constant 0 : i32
    %dma_start3A_165 = tpu.memref_slice %arg4[%add3A_163, %dma_start3A_164] : memref<425984x32xf32, #tpu.memory_space<hbm>> -> memref<128x32xf32, #tpu.memory_space<hbm>>
    %dma_start3A_166 = arith.constant 0 : i32
    %dma_start3A_167 = tpu.memref_slice %arg4[%add3A_163, %dma_start3A_166] : memref<425984x32xf32, #tpu.memory_space<hbm>> -> memref<128x32xf32, #tpu.memory_space<hbm>>
    tpu.enqueue_dma source(%arg13 : memref<128x32xf32, #tpu.memory_space<vmem>>) target(%dma_start3A_167 : memref<128x32xf32, #tpu.memory_space<hbm>>) target_semaphore(%arg29 : memref<!tpu.dma_semaphore, #tpu.memory_space<semaphore_mem>>)
    %add3A_168 = arith.constant 12288 : i32
    %add3A_169 = arith.addi %mul3A_4, %add3A_168 : i32
    %dma_wait3A_170 = arith.constant 0 : i32
    %dma_wait3A_171 = tpu.memref_slice %arg4[%add3A_169, %dma_wait3A_170] : memref<425984x32xf32, #tpu.memory_space<hbm>> -> memref<128x32xf32, #tpu.memory_space<hbm>>
    %dma_wait3A_172 = arith.constant 0 : i32
    %dma_wait3A_173 = tpu.memref_slice %arg4[%add3A_169, %dma_wait3A_172] : memref<425984x32xf32, #tpu.memory_space<hbm>> -> memref<128x32xf32, #tpu.memory_space<hbm>>
    tpu.wait_dma2 semaphore(%arg22 : memref<!tpu.dma_semaphore, #tpu.memory_space<semaphore_mem>>) src(%arg6 : memref<128x32xf32, #tpu.memory_space<vmem>>) dst(%dma_wait3A_173 : memref<128x32xf32, #tpu.memory_space<hbm>>)
    %add3A_174 = arith.constant 12416 : i32
    %add3A_175 = arith.addi %mul3A_4, %add3A_174 : i32
    %dma_wait3A_176 = arith.constant 0 : i32
    %dma_wait3A_177 = tpu.memref_slice %arg4[%add3A_175, %dma_wait3A_176] : memref<425984x32xf32, #tpu.memory_space<hbm>> -> memref<128x32xf32, #tpu.memory_space<hbm>>
    %dma_wait3A_178 = arith.constant 0 : i32
    %dma_wait3A_179 = tpu.memref_slice %arg4[%add3A_175, %dma_wait3A_178] : memref<425984x32xf32, #tpu.memory_space<hbm>> -> memref<128x32xf32, #tpu.memory_space<hbm>>
    tpu.wait_dma2 semaphore(%arg23 : memref<!tpu.dma_semaphore, #tpu.memory_space<semaphore_mem>>) src(%arg7 : memref<128x32xf32, #tpu.memory_space<vmem>>) dst(%dma_wait3A_179 : memref<128x32xf32, #tpu.memory_space<hbm>>)
    %add3A_180 = arith.constant 12544 : i32
    %add3A_181 = arith.addi %mul3A_4, %add3A_180 : i32
    %dma_wait3A_182 = arith.constant 0 : i32
    %dma_wait3A_183 = tpu.memref_slice %arg4[%add3A_181, %dma_wait3A_182] : memref<425984x32xf32, #tpu.memory_space<hbm>> -> memref<128x32xf32, #tpu.memory_space<hbm>>
    %dma_wait3A_184 = arith.constant 0 : i32
    %dma_wait3A_185 = tpu.memref_slice %arg4[%add3A_181, %dma_wait3A_184] : memref<425984x32xf32, #tpu.memory_space<hbm>> -> memref<128x32xf32, #tpu.memory_space<hbm>>
    tpu.wait_dma2 semaphore(%arg24 : memref<!tpu.dma_semaphore, #tpu.memory_space<semaphore_mem>>) src(%arg8 : memref<128x32xf32, #tpu.memory_space<vmem>>) dst(%dma_wait3A_185 : memref<128x32xf32, #tpu.memory_space<hbm>>)
    %add3A_186 = arith.constant 12672 : i32
    %add3A_187 = arith.addi %mul3A_4, %add3A_186 : i32
    %dma_wait3A_188 = arith.constant 0 : i32
    %dma_wait3A_189 = tpu.memref_slice %arg4[%add3A_187, %dma_wait3A_188] : memref<425984x32xf32, #tpu.memory_space<hbm>> -> memref<128x32xf32, #tpu.memory_space<hbm>>
    %dma_wait3A_190 = arith.constant 0 : i32
    %dma_wait3A_191 = tpu.memref_slice %arg4[%add3A_187, %dma_wait3A_190] : memref<425984x32xf32, #tpu.memory_space<hbm>> -> memref<128x32xf32, #tpu.memory_space<hbm>>
    tpu.wait_dma2 semaphore(%arg25 : memref<!tpu.dma_semaphore, #tpu.memory_space<semaphore_mem>>) src(%arg9 : memref<128x32xf32, #tpu.memory_space<vmem>>) dst(%dma_wait3A_191 : memref<128x32xf32, #tpu.memory_space<hbm>>)
    %add3A_192 = arith.constant 12800 : i32
    %add3A_193 = arith.addi %mul3A_4, %add3A_192 : i32
    %dma_wait3A_194 = arith.constant 0 : i32
    %dma_wait3A_195 = tpu.memref_slice %arg4[%add3A_193, %dma_wait3A_194] : memref<425984x32xf32, #tpu.memory_space<hbm>> -> memref<128x32xf32, #tpu.memory_space<hbm>>
    %dma_wait3A_196 = arith.constant 0 : i32
    %dma_wait3A_197 = tpu.memref_slice %arg4[%add3A_193, %dma_wait3A_196] : memref<425984x32xf32, #tpu.memory_space<hbm>> -> memref<128x32xf32, #tpu.memory_space<hbm>>
    tpu.wait_dma2 semaphore(%arg26 : memref<!tpu.dma_semaphore, #tpu.memory_space<semaphore_mem>>) src(%arg10 : memref<128x32xf32, #tpu.memory_space<vmem>>) dst(%dma_wait3A_197 : memref<128x32xf32, #tpu.memory_space<hbm>>)
    %add3A_198 = arith.constant 12928 : i32
    %add3A_199 = arith.addi %mul3A_4, %add3A_198 : i32
    %dma_wait3A_200 = arith.constant 0 : i32
    %dma_wait3A_201 = tpu.memref_slice %arg4[%add3A_199, %dma_wait3A_200] : memref<425984x32xf32, #tpu.memory_space<hbm>> -> memref<128x32xf32, #tpu.memory_space<hbm>>
    %dma_wait3A_202 = arith.constant 0 : i32
    %dma_wait3A_203 = tpu.memref_slice %arg4[%add3A_199, %dma_wait3A_202] : memref<425984x32xf32, #tpu.memory_space<hbm>> -> memref<128x32xf32, #tpu.memory_space<hbm>>
    tpu.wait_dma2 semaphore(%arg27 : memref<!tpu.dma_semaphore, #tpu.memory_space<semaphore_mem>>) src(%arg11 : memref<128x32xf32, #tpu.memory_space<vmem>>) dst(%dma_wait3A_203 : memref<128x32xf32, #tpu.memory_space<hbm>>)
    %add3A_204 = arith.constant 13056 : i32
    %add3A_205 = arith.addi %mul3A_4, %add3A_204 : i32
    %dma_wait3A_206 = arith.constant 0 : i32
    %dma_wait3A_207 = tpu.memref_slice %arg4[%add3A_205, %dma_wait3A_206] : memref<425984x32xf32, #tpu.memory_space<hbm>> -> memref<128x32xf32, #tpu.memory_space<hbm>>
    %dma_wait3A_208 = arith.constant 0 : i32
    %dma_wait3A_209 = tpu.memref_slice %arg4[%add3A_205, %dma_wait3A_208] : memref<425984x32xf32, #tpu.memory_space<hbm>> -> memref<128x32xf32, #tpu.memory_space<hbm>>
    tpu.wait_dma2 semaphore(%arg28 : memref<!tpu.dma_semaphore, #tpu.memory_space<semaphore_mem>>) src(%arg12 : memref<128x32xf32, #tpu.memory_space<vmem>>) dst(%dma_wait3A_209 : memref<128x32xf32, #tpu.memory_space<hbm>>)
    %add3A_210 = arith.constant 13184 : i32
    %add3A_211 = arith.addi %mul3A_4, %add3A_210 : i32
    %dma_wait3A_212 = arith.constant 0 : i32
    %dma_wait3A_213 = tpu.memref_slice %arg4[%add3A_211, %dma_wait3A_212] : memref<425984x32xf32, #tpu.memory_space<hbm>> -> memref<128x32xf32, #tpu.memory_space<hbm>>
    %dma_wait3A_214 = arith.constant 0 : i32
    %dma_wait3A_215 = tpu.memref_slice %arg4[%add3A_211, %dma_wait3A_214] : memref<425984x32xf32, #tpu.memory_space<hbm>> -> memref<128x32xf32, #tpu.memory_space<hbm>>
    tpu.wait_dma2 semaphore(%arg29 : memref<!tpu.dma_semaphore, #tpu.memory_space<semaphore_mem>>) src(%arg13 : memref<128x32xf32, #tpu.memory_space<vmem>>) dst(%dma_wait3A_215 : memref<128x32xf32, #tpu.memory_space<hbm>>)
    return
  }
}

</mosaic_0001>

<sc_bundles>
// kernel: kernel.3.cloned.1.call-start
scs
__scs_entry_jumppad:
0x0: {  	(pc) =	sbr.rel $0x88, $3  }
0x1: {  	(tag) =	ssettag $0x0;
	lr =	simm.s32 $0x1  }
0x2: {  	[smem:$0x3F9F] =	sst lr;
	_ =	strace $0xD0000000  }
0x3: {  	_ = 	snop  }
0x4: {  	_ = 	snop  }
0x5: {  	_ = 	snop  }
0x6: {  	_ = 	snop  }
0x7: {  	_ = 	snop  }
__scs_overlays_trampoline_lowered:
0x8: {  	[smem:$0x3FAE] =	sst s0  }
0x9: {  	[smem:$0x3FAF] =	sst s1  }
0xa: {  	[smem:$0x3FB0] =	sst s2  }
0xb: {  	[smem:$0x3FB1] =	sst s3  }
0xc: {  	[smem:$0x3FB2] =	sst s4  }
0xd: {  	[smem:$0x3FB3] =	sst s5  }
0xe: {  	[smem:$0x3FB4] =	sst s6  }
0xf: {  	[smem:$0x3FB5] =	sst s7  }
0x10: {  	[smem:$0x3FB6] =	sst s8  }
0x11: {  	[smem:$0x3FB7] =	sst s9;
	s0 =	simm.s32 @!p0 $0x0  }
0x12: {  	s1 =	sld [smem:$0x3F9D];
	s0 =	simm.s32 @p0 $0x1  }
0x13: {  	[smem:$0x3FB8] =	sst s0;
	s0 =	simm.s32 @!p1 $0x0  }
0x14: {  	s2 =	sld [smem:$0x3F9C];
	s0 =	simm.s32 @p1 $0x1  }
0x15: {  	[smem:$0x3FB9] =	sst s0;
	s0 =	simm.s32 @!p2 $0x0  }
0x16: {  	s3 =	sld [smem:$0x3FDB];
	s0 =	simm.s32 @p2 $0x1  }
0x17: {  	s4 =	simm.s32 $0x1BF5;
	[smem:$0x3FBB] =	sst s0  }
0x18: {  	s0 =	sld [smem:$0x3F9E];
	_ =	swait.ge [sflag:s4], $0x0  }
0x19: {  	s7 =	sld [smem:$0x3F9F]  }
0x1a: {  	s8 =	sadd.s32 $0xFFFFE003, lr  }
0x1b: {  	s9 =	sadd.s32 $0xFFFFFEF7, lr;
	s5 =	simm.s32 $0xFFFFFFFF;
	p2 =	slt.u32 s8, $0xFFFFF086  }
0x1c: {  	p1 =	slt.u32 s9, $0xF7A;
	s5 =	simm.s32 @!p2 $0x0  }
0x1d: {  	s5 =	simm.s32 @p1 $0x1;
	p0 =	seq.s32 s7, s2  }
0x1e: {  	s7 =	smul.u32 @!p0 $0xF7A, s2;
	p2 =	seq.s32 @!p0 s5, $0x0  }
0x1f: {  	s9 =	smul.u32 $0xF7A, s1;
	s8 =	simm.s32 @!p0 $0x1BF5;
	p2 =	por !p2, p0  }
0x20: {  	[sflag:s8] =	ssyncset.s32 @!p0 $0xFFFFF086;
	s6 =	sadd.s32 @!p0 s3, s7;
	s7 =	simm.s32 @!p0 $0x108  }
0x21: {  	s3 =	sadd.s32 s3, s9;
	s6 =	sadd.s32 @!p0 $0x88, s6;
	s7 =	simm.s32 @p2 $0x1082  }
0x22: {  	[simem:s7], [sflag:s8] =	dma.local @!p0 [hbm:s6], $0xF7A  }
0x23: {  	s9 =	sor.u32 $0xD0000000, s2;
	s6 =	simm.s32 $0x108;
	_ =	swait.ge @!p0 [sflag:s8], $0x0  }
0x24: {  	s3 =	sadd.s32 $0x88, s3;
	s6 =	simm.s32 @!p1 $0x1082;
	[sflag:s4] =	ssyncset.s32 $0xFFFFF086  }
0x25: {  	[simem:s6], [sflag:s4] =	dma.local [hbm:s3], $0xF7A  }
0x26: {  	[smem:$0x3F9F] =	sst s1;
	(tag) =	ssettag s2;
	_ =	strace s9  }
0x27: {  	s1 =	sld [smem:$0x3FAF]  }
0x28: {  	s2 =	sld [smem:$0x3FB0]  }
0x29: {  	s4 =	sld [smem:$0x3FB2]  }
0x2a: {  	p0 =	seq.s32 s5, $0x0;
	s5 =	sld [smem:$0x3FB3]  }
0x2b: {  	s6 =	sld [smem:$0x3FB4]  }
0x2c: {  	s7 =	sld [smem:$0x3FB5]  }
0x2d: {  	s3 =	simm.s32 $0x108;
	s8 =	sld [smem:$0x3FB6]  }
0x2e: {  	s3 =	simm.s32 @!p0 $0x1082;
	s9 =	sld [smem:$0x3FB7]  }
0x2f: {  	lr =	sadd.s32 s0, s3;
	s0 =	sld [smem:$0x3FAE]  }
0x30: {  	s3 =	sld [smem:$0x3FB1]  }
0x31: {  	[smem:$0x3FBA] =	sst s10  }
0x32: {  	s10 =	sld [smem:$0x3FB8];
	_ =	sdelay $0x3  }
0x33: {  	p0 =	seq.s32 s10, $0x1;
	s10 =	sld [smem:$0x3FBA];
	_ =	sdelay $0x3  }
0x34: {  	[smem:$0x3FBA] =	sst s10  }
0x35: {  	s10 =	sld [smem:$0x3FB9];
	_ =	sdelay $0x3  }
0x36: {  	p1 =	seq.s32 s10, $0x1;
	s10 =	sld [smem:$0x3FBA];
	_ =	sdelay $0x3  }
0x37: {  	[smem:$0x3FBA] =	sst s10  }
0x38: {  	s10 =	sld [smem:$0x3FBB]  }
0x39: {  	_ = 	snop;
	(pc) =	sbr.ind lr, $3  }
0x3a: {  	_ = 	snop  }
0x3b: {  	_ = 	snop  }
0x3c: {  	p2 =	seq.s32 s10, $0x1;
	s10 =	sld [smem:$0x3FBA]  }
0x3d: {  	_ =	shalt  }
0x3e: {  	_ =	shalt  }
0x3f: {  	_ =	shalt  }
0x40: {  	_ =	shalt  }
0x41: {  	_ =	shalt  }
0x42: {  	_ =	shalt  }
0x43: {  	_ =	shalt  }
0x44: {  	_ =	shalt  }
0x45: {  	_ =	shalt  }
0x46: {  	_ =	shalt  }
0x47: {  	_ =	shalt  }
0x48: {  	_ =	shalt  }
0x49: {  	_ =	shalt  }
0x4a: {  	_ =	shalt  }
0x4b: {  	_ =	shalt  }
0x4c: {  	_ =	shalt  }
0x4d: {  	_ =	shalt  }
0x4e: {  	_ =	shalt  }
0x4f: {  	_ =	shalt  }
0x50: {  	_ =	shalt  }
0x51: {  	_ =	shalt  }
0x52: {  	_ =	shalt  }
0x53: {  	_ =	shalt  }
0x54: {  	_ =	shalt  }
0x55: {  	_ =	shalt  }
0x56: {  	_ =	shalt  }
0x57: {  	_ =	shalt  }
0x58: {  	_ =	shalt  }
0x59: {  	_ =	shalt  }
0x5a: {  	_ =	shalt  }
0x5b: {  	_ =	shalt  }
0x5c: {  	_ =	shalt  }
0x5d: {  	_ =	shalt  }
0x5e: {  	_ =	shalt  }
0x5f: {  	_ =	shalt  }
0x60: {  	_ =	shalt  }
0x61: {  	_ =	shalt  }
0x62: {  	_ =	shalt  }
0x63: {  	_ =	shalt  }
0x64: {  	_ =	shalt  }
0x65: {  	_ =	shalt  }
0x66: {  	_ =	shalt  }
0x67: {  	_ =	shalt  }
0x68: {  	_ =	shalt  }
0x69: {  	_ =	shalt  }
0x6a: {  	_ =	shalt  }
0x6b: {  	_ =	shalt  }
0x6c: {  	_ =	shalt  }
0x6d: {  	_ =	shalt  }
0x6e: {  	_ =	shalt  }
0x6f: {  	_ =	shalt  }
0x70: {  	_ =	shalt  }
0x71: {  	_ =	shalt  }
0x72: {  	_ =	shalt  }
0x73: {  	_ =	shalt  }
0x74: {  	_ =	shalt  }
0x75: {  	_ =	shalt  }
0x76: {  	_ =	shalt  }
0x77: {  	_ =	shalt  }
0x78: {  	_ =	shalt  }
0x79: {  	_ =	shalt  }
0x7a: {  	_ =	shalt  }
0x7b: {  	_ =	shalt  }
0x7c: {  	_ =	shalt  }
0x7d: {  	_ =	shalt  }
0x7e: {  	_ =	shalt  }
0x7f: {  	_ =	shalt  }
0x80: {  	_ =	shalt  }
0x81: {  	_ =	shalt  }
0x82: {  	_ =	shalt  }
0x83: {  	_ =	shalt  }
0x84: {  	_ =	shalt  }
0x85: {  	_ =	shalt  }
0x86: {  	_ =	shalt  }
0x87: {  	_ =	shalt  }
.Lfunc_end0:
.L_simem_size_0:
called_computation.1_lowered:
.L_overlay_start_0:
0x88: {  	s2 =	sld [smem:$0x3FD9]  }
0x89: {  	s3 =	sld [smem:$0x3FFE];
	_ =	sdelay $0x1  }
0x8a: {  	s1 =	srdreg.scid  }
0x8b: {  	s0 =	sand.u32 $0x1, s1  }
0x8c: {  	s17 =	sshll.u32 s0, $0xA;
	s2 =	sadd.s32 s3, s2  }
0x8d: {  	s2 =	sadd.s32 s2, s17  }
0x8e: {  	[smem:$0x3FC6] =	sst s2  }
0x8f: {  	_ = 	snop  }
0x90: {  	s2 =	sld [smem:$0x3FD0];
	(tm) =	ssettm $0x1  }
0x91: {  	s18 =	sld [smem:$0x3FFB];
	_ =	sdelay $0x3  }
0x92: {  	_ =	strace s18  }
0x93: {  	s3 =	sld [smem:$0x3FFC];
	_ =	sdelay $0x3  }
0x94: {  	_ =	strace s3  }
0x95: {  	s3 =	sld [smem:$0x3FFD];
	_ =	sdelay $0x3  }
0x96: {  	_ =	strace s3  }
0x97: {  	_ =	strace $0x8FFFFFFF  }
0x98: {  	s19 =	sld [smem:$0x3FDB];
	_ =	sdelay $0x1  }
0x99: {  	s4 =	simm.s32 $_scs_section_size  }
0x9a: {  	s5 =	simm.s32 $_size__tile_overlayer_lowered;
	s6 =	simm.s32 $_tile_overlayer_lowered  }
0x9b: {  	s22 =	simm.s32 $0x1BFF;
	s21 =	sshll.u32 s6, $0x1;
	s3 =	sadd.s32 s4, s19  }
0x9c: {  	s7 =	simm.s32 $0x0;
	s20 =	sshll.u32 s5, $0x1;
	s5 =	sadd.s32 s21, s3  }
0x9d: {  	[timem:s7], [sflag:s22] =	dma.local [hbm:s5], s20  }
0x9e: {  	_ =	swait.ge [sflag:s22], s20  }
0x9f: {  	s4 =	ssub.s32 $0x0, s20;
	[sflag:s22] =	ssyncset.done $0x0  }
0xa0: {  	[sflag:s22] =	ssyncadd.s32 s4;
	_ =	sdelay $0x1  }
0xa1: {  	s23 =	simm.s32 $0x1B8B  }
0xa2: {  	_ =	swait.ge [sflag:s23], $0x1  }
0xa3: {  	[sflag:s23] =	ssyncset.done $0x0  }
0xa4: {  	s25 =	simm.s32 $0x1B8E;
	s24 =	sld [smem:$0x3FFE];
	[sflag:s23] =	ssyncadd.s32 $0xFFFFFFFF  }
0xa5: {  	s26 =	simm.s32 $execute0_lowered;
	[smem:$0x3FD2] =	sst s25  }
0xa6: {  	s5 =	sshll.u32 s26, $0x1;
	_ =	strace $0x80000046;
	[dreg:$0x1] =	wrdreg $0xFFFFFFFF  }
0xa7: {  	s28 =	simm.s32 $_size_execute0_lowered;
	s3 =	sadd.s32 s3, s5;
	[dreg:$0x0] =	wrdreg $0x0  }
0xa8: {  	s5 =	sshll.u32 s28, $0x1;
	[dreg:$0x2] =	wrdreg s3  }
0xa9: {  	[dreg:$0x3] =	wrdreg s5  }
0xaa: {  	[dreg:$0x4] =	wrdreg $0xC0  }
0xab: {  	_ =	task [dreg:s7], $0x5FFFF  }
0xac: {  	[dreg:$0x1] =	wrdreg $0xFFFFFFFF  }
0xad: {  	[dreg:$0x0] =	wrdreg $0x60  }
0xae: {  	[dreg:$0x2] =	wrdreg s24  }
0xaf: {  	[dreg:$0x3] =	wrdreg s2  }
0xb0: {  	[dreg:$0x4] =	wrdreg $0x9  }
0xb1: {  	_ =	task.clear_ibuf [dreg:s7], $0x5FFFF;
	_ =	strace $0x90000046  }
0xb2: {  	s29 =	simm.s32 $0x9;
	_ =	strace $0x80000048  }
0xb3: {  	_ =	swait.ge [sflag:s29], $0x1  }
0xb4: {  	[sflag:s29] =	ssyncadd.s32 $0xFFFFFFFF  }
0xb5: {  	_ =	strace $0x90000048  }
0xb6: {  	_ =	sfence  }
0xb7: {  	s30 =	sld [smem:$0x0];
	_ =	sdelay $0x2  }
0xb8: {  	s31 =	sshll.u32 s1, $0xD;
	s1 =	sshrl.u32 s1, $0x2  }
0xb9: {  	s3 =	sand.u32 $0x4000, s31;
	s1 =	sadd.s32 s1, s30  }
0xba: {  	s0 =	sor.u32 s3, s0;
	s1 =	sshll.u32 s1, $0x11  }
0xbb: {  	s0 =	sor.u32 s1, s0  }
0xbc: {  	s0 =	sadd.s32 $0x8F2B, s0  }
0xbd: {  	[sflag:s0] =	ssyncadd.remote.s32 $0x1  }
0xbe: {  	_ =	sfence.sel $0xFFFF  }
0xbf: {  	[dreg:$0x0] =	wrdreg $0xFFFFFFFF;
	(pc) =	sbr.abs _section_cstart, $3  }
0xc0: {  	[dreg:$0x1] =	wrdreg $0xFFFFFFFF  }
0xc1: {  	_ =	task.clear_ibuf [dreg:s7], $0x2FFFF;
	_ =	strace $0x9FFFFFFF  }
0xc2: {  	(tm) =	ssettm $0x7FFFFFFF  }
0xc3: {  	_ =	shalt  }
tec
execute0_lowered:
.L_overlay_start_1:
0x0: {  	(tag) =	ssettag $0x1  }
0x1: {  	s0 =	srdreg.scid;
	s3 =	stileid.u32  }
0x2: {  	s4 =	rddreg [dreg:$0x0];
	s7 =	smul.u32 $0xD0000, s3  }
0x3: {  	s5 =	rddreg [dreg:$0x1];
	s0 =	sand.u32 $0x1, s0;
	s10 =	smul.u32 $0x6800, s3  }
0x4: {  	s2 =	simm.s32 $0x0;
	s1 =	sshll.u32 s3, $0x1;
	s8 =	smul.u32 $0x68000, s0  }
0x5: {  	s1 =	sor.u32 s0, s1;
	s9 =	ssub.s32 $0x2, s0;
	s0 =	smul.u32 $0x3400, s0  }
0x6: {  	[smem:$0x7FF] =	sst s2;
	s6 =	smul.u32 $0x680, s1  }
0x7: {  	s3 =	sadd.s32 $0x27AD000, s4;
	s11 =	sshrl.u32 s9, $0x1;
	s1 =	smul.u32 $0x68000, s1  }
0x8: {  	_ =	strace $0x80000047;
	s11 =	ssub.s32 s9, s11;
	s0 =	sadd.s32 s0, s10  }
0x9: {  	s4 =	sadd.s32 s6, s4;
	s1 =	sshrl.u32 s1, $0x3;
	s26 =	smax.u32 s11, $0x1  }
0xa: {  	s4 =	sadd.s32 $0xC00, s4;
	s1 =	sadd.s32 s5, s1;
	[dreg:$0x14] =	wrdreg s26  }
0xb: {  	s0 =	sshll.u32 s0, $0x2;
	[dreg:$0xb] =	wrdreg s4;
	s13 =	sadd.s32 $0xC000, s1  }
0xc: {  	s0 =	sadd.s32 s0, s5;
	s15 =	sadd.s32 $0xC200, s1;
	[dreg:$0xc] =	wrdreg s13  }
0xd: {  	s28 =	simm.s32 $0x9400;
	s14 =	sadd.s32 $0xE00, s0;
	[dreg:$0xd] =	wrdreg s15  }
0xe: {  	s30 =	simm.s32 $0xA400;
	s17 =	sadd.s32 $0xC400, s1;
	[dreg:$0x4] =	wrdreg s14  }
0xf: {  	s31 =	simm.s32 $0x1;
	s16 =	sadd.s32 $0xC00, s0;
	[dreg:$0xe] =	wrdreg s17  }
0x10: {  	s29 =	simm.s32 $0x9;
	s19 =	sadd.s32 $0xC600, s1;
	[dreg:$0x5] =	wrdreg s16  }
0x11: {  	s12 =	sadd.s32 s8, s7;
	s18 =	sadd.s32 $0xA00, s0;
	[dreg:$0xf] =	wrdreg s19  }
0x12: {  	s7 =	simm.s32 $0xD;
	s21 =	sadd.s32 $0xC800, s1;
	[dreg:$0x6] =	wrdreg s18  }
0x13: {  	s8 =	simm.s32 $0xE;
	s20 =	sadd.s32 $0x800, s0;
	[dreg:$0x10] =	wrdreg s21  }
0x14: {  	s9 =	simm.s32 $0xF;
	s23 =	sadd.s32 $0xCA00, s1;
	[dreg:$0x7] =	wrdreg s20  }
0x15: {  	s10 =	simm.s32 $0x10;
	s22 =	sadd.s32 $0x600, s0;
	[dreg:$0x11] =	wrdreg s23  }
0x16: {  	s6 =	simm.s32 $0xC;
	s25 =	sadd.s32 $0xCC00, s1;
	[dreg:$0x8] =	wrdreg s22  }
0x17: {  	s11 =	simm.s32 $0x0;
	s24 =	sadd.s32 $0x400, s0;
	[dreg:$0x12] =	wrdreg s25  }
0x18: {  	s26 =	simm.s32 $0x8;
	s1 =	sadd.s32 $0xCE00, s1;
	[dreg:$0x9] =	wrdreg s24  }
0x19: {  	s4 =	sshrl.u32 s12, $0x3;
	s0 =	sadd.s32 $0x200, s0;
	[dreg:$0x13] =	wrdreg s1  }
0x1a: {  	s4 =	sadd.s32 s4, s5;
	[dreg:$0xa] =	wrdreg s0;
	s15 =	simm.s32 $0x80  }
0x1b: {  	s16 =	simm.s32 $0x3400;
	s17 =	simm.s32 $0x4400;
	s19 =	simm.s32 $0x5400  }
0x1c: {  	s21 =	simm.s32 $0x6400;
	s23 =	simm.s32 $0x7400;
	s25 =	simm.s32 $0x8400  }
0x1d: {  	s1 =	simm.s32 $0x2;
	s0 =	simm.s32 $0x3;
	s18 =	simm.s32 $0x4  }
0x1e: {  	s20 =	simm.s32 $0x5;
	s22 =	simm.s32 $0x6;
	s24 =	simm.s32 $0x7  }
0x1f: {  	s5 =	simm.s32 $0xB;
	[dreg:$0x3] =	wrdreg s4;
	s4 =	simm.s32 $0xA  }
.LBB2_1:
0x20: {  	s12 =	rddreg [dreg:$0xb];
	s13 =	simm.s32 $0x11  }
0x21: {  	[tilespmem:s2], [sflag:$0x11] =	stream.linear.gather [hbm4b:s12+s2], $0x3400, $0x38;
	[tilespmem:$0xB400] =	vst v63  }
0x22: {  	_ =	swait.ge [sflag:s13], $0x3400  }
0x23: {  	[sflag:s13] =	ssyncset.done $0x0  }
0x24: {  	[sflag:s13] =	ssyncadd.s32 $0xFFFFCC00  }
0x25: {  	[tilespmem:s16], [sflag:$0x1] =	stream.indirect.gather [hbm4b:s3+s15], $0x20, s2, s15, $0xb8;
	[tilespmem:$0xB400] =	vst v63  }
0x26: {  	_ = 	snop  }
0x27: {  	[tilespmem:s17], [sflag:$0x2] =	stream.indirect.gather [hbm4b:s3+s15], $0x20, s15, s15, $0xb8;
	[tilespmem:$0xB400] =	vst v63  }
0x28: {  	s14 =	simm.s32 $0x100  }
0x29: {  	[tilespmem:s19], [sflag:$0x3] =	stream.indirect.gather [hbm4b:s3+s15], $0x20, s14, s15, $0xb8;
	[tilespmem:$0xB400] =	vst v63  }
0x2a: {  	s13 =	simm.s32 $0x180  }
0x2b: {  	[tilespmem:s21], [sflag:$0x4] =	stream.indirect.gather [hbm4b:s3+s15], $0x20, s13, s15, $0xb8;
	[tilespmem:$0xB400] =	vst v63  }
0x2c: {  	s14 =	simm.s32 $0x200  }
0x2d: {  	[tilespmem:s23], [sflag:$0x5] =	stream.indirect.gather [hbm4b:s3+s15], $0x20, s14, s15, $0xb8;
	[tilespmem:$0xB400] =	vst v63  }
0x2e: {  	s13 =	simm.s32 $0x280  }
0x2f: {  	[tilespmem:s25], [sflag:$0x6] =	stream.indirect.gather [hbm4b:s3+s15], $0x20, s13, s15, $0xb8;
	[tilespmem:$0xB400] =	vst v63  }
0x30: {  	s14 =	simm.s32 $0x300  }
0x31: {  	[tilespmem:s28], [sflag:$0x7] =	stream.indirect.gather [hbm4b:s3+s15], $0x20, s14, s15, $0xb8;
	[tilespmem:$0xB400] =	vst v63  }
0x32: {  	s13 =	simm.s32 $0x380  }
0x33: {  	[tilespmem:s30], [sflag:$0x8] =	stream.indirect.gather [hbm4b:s3+s15], $0x20, s13, s15, $0xb8;
	[tilespmem:$0xB400] =	vst v63  }
0x34: {  	_ =	swait.ge [sflag:s31], $0x1000  }
0x35: {  	s14 =	rddreg [dreg:$0x3];
	[sflag:s31] =	ssyncset.done $0x0  }
0x36: {  	[sflag:s31] =	ssyncadd.s32 $0xFFFFF000;
	s12 =	sadd.s32 $0x0, s14  }
0x37: {  	[hbm4b:s12+s2] =	stream.linear.scatter [tilespmem:s16], [sflag:$0x9], $0x1000, $0x38;
	[tilespmem:$0xB400] =	vst v63  }
0x38: {  	_ =	swait.ge [sflag:s1], $0x1000  }
0x39: {  	s13 =	rddreg [dreg:$0xa];
	[sflag:s1] =	ssyncset.done $0x0  }
0x3a: {  	[sflag:s1] =	ssyncadd.s32 $0xFFFFF000;
	s12 =	sadd.s32 $0x0, s13  }
0x3b: {  	[hbm4b:s12+s2] =	stream.linear.scatter [tilespmem:s17], [sflag:$0xA], $0x1000, $0x38;
	[tilespmem:$0xB400] =	vst v63  }
0x3c: {  	_ =	swait.ge [sflag:s0], $0x1000  }
0x3d: {  	s14 =	rddreg [dreg:$0x9];
	[sflag:s0] =	ssyncset.done $0x0  }
0x3e: {  	[sflag:s0] =	ssyncadd.s32 $0xFFFFF000;
	s12 =	sadd.s32 $0x0, s14  }
0x3f: {  	[hbm4b:s12+s2] =	stream.linear.scatter [tilespmem:s19], [sflag:$0xB], $0x1000, $0x38;
	[tilespmem:$0xB400] =	vst v63  }
0x40: {  	_ =	swait.ge [sflag:s18], $0x1000  }
0x41: {  	s13 =	rddreg [dreg:$0x8];
	[sflag:s18] =	ssyncset.done $0x0  }
0x42: {  	[sflag:s18] =	ssyncadd.s32 $0xFFFFF000;
	s12 =	sadd.s32 $0x0, s13  }
0x43: {  	[hbm4b:s12+s2] =	stream.linear.scatter [tilespmem:s21], [sflag:$0xC], $0x1000, $0x38;
	[tilespmem:$0xB400] =	vst v63  }
0x44: {  	_ =	swait.ge [sflag:s20], $0x1000  }
0x45: {  	s14 =	rddreg [dreg:$0x7];
	[sflag:s20] =	ssyncset.done $0x0  }
0x46: {  	[sflag:s20] =	ssyncadd.s32 $0xFFFFF000;
	s12 =	sadd.s32 $0x0, s14  }
0x47: {  	[hbm4b:s12+s2] =	stream.linear.scatter [tilespmem:s23], [sflag:$0xD], $0x1000, $0x38;
	[tilespmem:$0xB400] =	vst v63  }
0x48: {  	_ =	swait.ge [sflag:s22], $0x1000  }
0x49: {  	s13 =	rddreg [dreg:$0x6];
	[sflag:s22] =	ssyncset.done $0x0  }
0x4a: {  	[sflag:s22] =	ssyncadd.s32 $0xFFFFF000;
	s12 =	sadd.s32 $0x0, s13  }
0x4b: {  	[hbm4b:s12+s2] =	stream.linear.scatter [tilespmem:s25], [sflag:$0xE], $0x1000, $0x38;
	[tilespmem:$0xB400] =	vst v63  }
0x4c: {  	_ =	swait.ge [sflag:s24], $0x1000  }
0x4d: {  	s14 =	rddreg [dreg:$0x5];
	[sflag:s24] =	ssyncset.done $0x0  }
0x4e: {  	[sflag:s24] =	ssyncadd.s32 $0xFFFFF000;
	s12 =	sadd.s32 $0x0, s14  }
0x4f: {  	[hbm4b:s12+s2] =	stream.linear.scatter [tilespmem:s28], [sflag:$0xF], $0x1000, $0x38;
	[tilespmem:$0xB400] =	vst v63  }
0x50: {  	_ =	swait.ge [sflag:s26], $0x1000  }
0x51: {  	s13 =	rddreg [dreg:$0x4];
	[sflag:s26] =	ssyncset.done $0x0  }
0x52: {  	[sflag:s26] =	ssyncadd.s32 $0xFFFFF000;
	s12 =	sadd.s32 $0x0, s13  }
0x53: {  	[hbm4b:s12+s2] =	stream.linear.scatter [tilespmem:s30], [sflag:$0x10], $0x1000, $0x38;
	[tilespmem:$0xB400] =	vst v63  }
0x54: {  	_ =	swait.ge [sflag:s29], $0x1000  }
0x55: {  	[sflag:s29] =	ssyncset.done $0x0  }
0x56: {  	s14 =	simm.s32 $0x400;
	[sflag:s29] =	ssyncadd.s32 $0xFFFFF000  }
0x57: {  	[tilespmem:s16], [sflag:$0x1] =	stream.indirect.gather [hbm4b:s3+s15], $0x20, s14, s15, $0xb8;
	[tilespmem:$0xB400] =	vst v63  }
0x58: {  	_ =	swait.ge [sflag:s4], $0x1000  }
0x59: {  	[sflag:s4] =	ssyncset.done $0x0  }
0x5a: {  	s13 =	simm.s32 $0x480;
	[sflag:s4] =	ssyncadd.s32 $0xFFFFF000  }
0x5b: {  	[tilespmem:s17], [sflag:$0x2] =	stream.indirect.gather [hbm4b:s3+s15], $0x20, s13, s15, $0xb8;
	[tilespmem:$0xB400] =	vst v63  }
0x5c: {  	_ =	swait.ge [sflag:s5], $0x1000  }
0x5d: {  	[sflag:s5] =	ssyncset.done $0x0  }
0x5e: {  	s14 =	simm.s32 $0x500;
	[sflag:s5] =	ssyncadd.s32 $0xFFFFF000  }
0x5f: {  	[tilespmem:s19], [sflag:$0x3] =	stream.indirect.gather [hbm4b:s3+s15], $0x20, s14, s15, $0xb8;
	[tilespmem:$0xB400] =	vst v63  }
0x60: {  	_ =	swait.ge [sflag:s6], $0x1000  }
0x61: {  	[sflag:s6] =	ssyncset.done $0x0  }
0x62: {  	s13 =	simm.s32 $0x580;
	[sflag:s6] =	ssyncadd.s32 $0xFFFFF000  }
0x63: {  	[tilespmem:s21], [sflag:$0x4] =	stream.indirect.gather [hbm4b:s3+s15], $0x20, s13, s15, $0xb8;
	[tilespmem:$0xB400] =	vst v63  }
0x64: {  	_ =	swait.ge [sflag:s7], $0x1000  }
0x65: {  	[sflag:s7] =	ssyncset.done $0x0  }
0x66: {  	s14 =	simm.s32 $0x600;
	[sflag:s7] =	ssyncadd.s32 $0xFFFFF000  }
0x67: {  	[tilespmem:s23], [sflag:$0x5] =	stream.indirect.gather [hbm4b:s3+s15], $0x20, s14, s15, $0xb8;
	[tilespmem:$0xB400] =	vst v63  }
0x68: {  	_ =	swait.ge [sflag:s8], $0x1000  }
0x69: {  	[sflag:s8] =	ssyncset.done $0x0  }
0x6a: {  	s13 =	simm.s32 $0x680;
	[sflag:s8] =	ssyncadd.s32 $0xFFFFF000  }
0x6b: {  	[tilespmem:s25], [sflag:$0x6] =	stream.indirect.gather [hbm4b:s3+s15], $0x20, s13, s15, $0xb8;
	[tilespmem:$0xB400] =	vst v63  }
0x6c: {  	_ =	swait.ge [sflag:s9], $0x1000  }
0x6d: {  	[sflag:s9] =	ssyncset.done $0x0  }
0x6e: {  	s14 =	simm.s32 $0x700;
	[sflag:s9] =	ssyncadd.s32 $0xFFFFF000  }
0x6f: {  	[tilespmem:s28], [sflag:$0x7] =	stream.indirect.gather [hbm4b:s3+s15], $0x20, s14, s15, $0xb8;
	[tilespmem:$0xB400] =	vst v63  }
0x70: {  	_ =	swait.ge [sflag:s10], $0x1000  }
0x71: {  	[sflag:s10] =	ssyncset.done $0x0  }
0x72: {  	s12 =	simm.s32 $0x1000;
	s13 =	simm.s32 $0x780;
	[sflag:s10] =	ssyncadd.s32 $0xFFFFF000  }
.LBB2_2:
0x73: {  	[tilespmem:s30], [sflag:$0x8] =	stream.indirect.gather [hbm4b:s3+s15], $0x20, s13, s15, $0xb8;
	[tilespmem:$0xB400] =	vst v63  }
0x74: {  	_ =	swait.ge [sflag:s31], $0x1000  }
0x75: {  	s13 =	smov.u32 s12;
	s14 =	rddreg [dreg:$0x3];
	[sflag:s31] =	ssyncset.done $0x0  }
0x76: {  	[sflag:s31] =	ssyncadd.s32 $0xFFFFF000;
	s14 =	sadd.s32 s13, s14  }
0x77: {  	[hbm4b:s14+s2] =	stream.linear.scatter [tilespmem:s16], [sflag:$0x9], $0x1000, $0x38;
	[tilespmem:$0xB400] =	vst v63  }
0x78: {  	_ =	swait.ge [sflag:s1], $0x1000  }
0x79: {  	s14 =	rddreg [dreg:$0xa];
	[sflag:s1] =	ssyncset.done $0x0  }
0x7a: {  	[sflag:s1] =	ssyncadd.s32 $0xFFFFF000;
	s14 =	sadd.s32 s13, s14  }
0x7b: {  	[hbm4b:s14+s2] =	stream.linear.scatter [tilespmem:s17], [sflag:$0xA], $0x1000, $0x38;
	[tilespmem:$0xB400] =	vst v63  }
0x7c: {  	_ =	swait.ge [sflag:s0], $0x1000  }
0x7d: {  	s14 =	rddreg [dreg:$0x9];
	[sflag:s0] =	ssyncset.done $0x0  }
0x7e: {  	[sflag:s0] =	ssyncadd.s32 $0xFFFFF000;
	s14 =	sadd.s32 s13, s14  }
0x7f: {  	[hbm4b:s14+s2] =	stream.linear.scatter [tilespmem:s19], [sflag:$0xB], $0x1000, $0x38;
	[tilespmem:$0xB400] =	vst v63  }
0x80: {  	_ =	swait.ge [sflag:s18], $0x1000  }
0x81: {  	s14 =	rddreg [dreg:$0x8];
	[sflag:s18] =	ssyncset.done $0x0  }
0x82: {  	[sflag:s18] =	ssyncadd.s32 $0xFFFFF000;
	s14 =	sadd.s32 s13, s14  }
0x83: {  	[hbm4b:s14+s2] =	stream.linear.scatter [tilespmem:s21], [sflag:$0xC], $0x1000, $0x38;
	[tilespmem:$0xB400] =	vst v63  }
0x84: {  	_ =	swait.ge [sflag:s20], $0x1000  }
0x85: {  	s14 =	rddreg [dreg:$0x7];
	[sflag:s20] =	ssyncset.done $0x0  }
0x86: {  	[sflag:s20] =	ssyncadd.s32 $0xFFFFF000;
	s14 =	sadd.s32 s13, s14  }
0x87: {  	[hbm4b:s14+s2] =	stream.linear.scatter [tilespmem:s23], [sflag:$0xD], $0x1000, $0x38;
	[tilespmem:$0xB400] =	vst v63  }
0x88: {  	_ =	swait.ge [sflag:s22], $0x1000  }
0x89: {  	s14 =	rddreg [dreg:$0x6];
	[sflag:s22] =	ssyncset.done $0x0  }
0x8a: {  	[sflag:s22] =	ssyncadd.s32 $0xFFFFF000;
	s14 =	sadd.s32 s13, s14  }
0x8b: {  	[hbm4b:s14+s2] =	stream.linear.scatter [tilespmem:s25], [sflag:$0xE], $0x1000, $0x38;
	[tilespmem:$0xB400] =	vst v63  }
0x8c: {  	_ =	swait.ge [sflag:s24], $0x1000  }
0x8d: {  	s14 =	rddreg [dreg:$0x5];
	[sflag:s24] =	ssyncset.done $0x0  }
0x8e: {  	[sflag:s24] =	ssyncadd.s32 $0xFFFFF000;
	s14 =	sadd.s32 s13, s14  }
0x8f: {  	[hbm4b:s14+s2] =	stream.linear.scatter [tilespmem:s28], [sflag:$0xF], $0x1000, $0x38;
	[tilespmem:$0xB400] =	vst v63  }
0x90: {  	_ =	swait.ge [sflag:s26], $0x1000  }
0x91: {  	s14 =	rddreg [dreg:$0x4];
	[sflag:s26] =	ssyncset.done $0x0  }
0x92: {  	[sflag:s26] =	ssyncadd.s32 $0xFFFFF000;
	s14 =	sadd.s32 s13, s14  }
0x93: {  	[hbm4b:s14+s2] =	stream.linear.scatter [tilespmem:s30], [sflag:$0x10], $0x1000, $0x38;
	[tilespmem:$0xB400] =	vst v63  }
0x94: {  	_ =	swait.ge [sflag:s29], $0x1000  }
0x95: {  	s13 =	sshra.s32 s13, $0x2;
	[sflag:s29] =	ssyncset.done $0x0  }
0x96: {  	s14 =	sadd.s32 $0x400, s13;
	[sflag:s29] =	ssyncadd.s32 $0xFFFFF000  }
0x97: {  	[tilespmem:s16], [sflag:$0x1] =	stream.indirect.gather [hbm4b:s3+s15], $0x20, s14, s15, $0xb8;
	[tilespmem:$0xB400] =	vst v63  }
0x98: {  	_ =	swait.ge [sflag:s4], $0x1000  }
0x99: {  	[sflag:s4] =	ssyncset.done $0x0  }
0x9a: {  	s14 =	sadd.s32 $0x480, s13;
	[sflag:s4] =	ssyncadd.s32 $0xFFFFF000  }
0x9b: {  	[tilespmem:s17], [sflag:$0x2] =	stream.indirect.gather [hbm4b:s3+s15], $0x20, s14, s15, $0xb8;
	[tilespmem:$0xB400] =	vst v63  }
0x9c: {  	_ =	swait.ge [sflag:s5], $0x1000  }
0x9d: {  	[sflag:s5] =	ssyncset.done $0x0  }
0x9e: {  	s14 =	sadd.s32 $0x500, s13;
	[sflag:s5] =	ssyncadd.s32 $0xFFFFF000  }
0x9f: {  	[tilespmem:s19], [sflag:$0x3] =	stream.indirect.gather [hbm4b:s3+s15], $0x20, s14, s15, $0xb8;
	[tilespmem:$0xB400] =	vst v63  }
0xa0: {  	_ =	swait.ge [sflag:s6], $0x1000  }
0xa1: {  	[sflag:s6] =	ssyncset.done $0x0  }
0xa2: {  	s14 =	sadd.s32 $0x580, s13;
	[sflag:s6] =	ssyncadd.s32 $0xFFFFF000  }
0xa3: {  	[tilespmem:s21], [sflag:$0x4] =	stream.indirect.gather [hbm4b:s3+s15], $0x20, s14, s15, $0xb8;
	[tilespmem:$0xB400] =	vst v63  }
0xa4: {  	_ =	swait.ge [sflag:s7], $0x1000  }
0xa5: {  	[sflag:s7] =	ssyncset.done $0x0  }
0xa6: {  	s14 =	sadd.s32 $0x600, s13;
	[sflag:s7] =	ssyncadd.s32 $0xFFFFF000  }
0xa7: {  	[tilespmem:s23], [sflag:$0x5] =	stream.indirect.gather [hbm4b:s3+s15], $0x20, s14, s15, $0xb8;
	[tilespmem:$0xB400] =	vst v63  }
0xa8: {  	_ =	swait.ge [sflag:s8], $0x1000  }
0xa9: {  	[sflag:s8] =	ssyncset.done $0x0  }
0xaa: {  	s14 =	sadd.s32 $0x680, s13;
	[sflag:s8] =	ssyncadd.s32 $0xFFFFF000  }
0xab: {  	[tilespmem:s25], [sflag:$0x6] =	stream.indirect.gather [hbm4b:s3+s15], $0x20, s14, s15, $0xb8;
	[tilespmem:$0xB400] =	vst v63  }
0xac: {  	_ =	swait.ge [sflag:s9], $0x1000  }
0xad: {  	p0 =	sne.s32 s12, $0xB000;
	[sflag:s9] =	ssyncset.done $0x0  }
.Ltmp0:
0xae: {  	s14 =	sadd.s32 $0x700, s13;
	[sflag:s9] =	ssyncadd.s32 $0xFFFFF000;
	(pc) =	sbr.rel @p0 .LBB2_2-.Ltmp0, $4  }
0xaf: {  	[tilespmem:s28], [sflag:$0x7] =	stream.indirect.gather [hbm4b:s3+s15], $0x20, s14, s15, $0xb8;
	[tilespmem:$0xB400] =	vst v63  }
0xb0: {  	_ =	swait.ge [sflag:s10], $0x1000  }
0xb1: {  	[sflag:s10] =	ssyncset.done $0x0  }
0xb2: {  	s12 =	sadd.s32 $0x1000, s12;
	s13 =	sadd.s32 $0x780, s13;
	[sflag:s10] =	ssyncadd.s32 $0xFFFFF000  }
0xb3: {  	[tilespmem:s30], [sflag:$0x8] =	stream.indirect.gather [hbm4b:s3+s15], $0x20, s13, s15, $0xb8;
	[tilespmem:$0xB400] =	vst v63  }
0xb4: {  	_ =	swait.ge [sflag:s31], $0x1000  }
0xb5: {  	[sflag:s31] =	ssyncset.done $0x0  }
0xb6: {  	s12 =	rddreg [dreg:$0xc];
	[sflag:s31] =	ssyncadd.s32 $0xFFFFF000  }
0xb7: {  	[hbm4b:s12+s2] =	stream.linear.scatter [tilespmem:s16], [sflag:$0x9], $0x1000, $0x38;
	[tilespmem:$0xB400] =	vst v63  }
0xb8: {  	_ =	swait.ge [sflag:s1], $0x1000  }
0xb9: {  	[sflag:s1] =	ssyncset.done $0x0  }
0xba: {  	s13 =	rddreg [dreg:$0xd];
	[sflag:s1] =	ssyncadd.s32 $0xFFFFF000  }
0xbb: {  	[hbm4b:s13+s2] =	stream.linear.scatter [tilespmem:s17], [sflag:$0xA], $0x1000, $0x38;
	[tilespmem:$0xB400] =	vst v63  }
0xbc: {  	_ =	swait.ge [sflag:s0], $0x1000  }
0xbd: {  	[sflag:s0] =	ssyncset.done $0x0  }
0xbe: {  	s14 =	rddreg [dreg:$0xe];
	[sflag:s0] =	ssyncadd.s32 $0xFFFFF000  }
0xbf: {  	[hbm4b:s14+s2] =	stream.linear.scatter [tilespmem:s19], [sflag:$0xB], $0x1000, $0x38;
	[tilespmem:$0xB400] =	vst v63  }
0xc0: {  	_ =	swait.ge [sflag:s18], $0x1000  }
0xc1: {  	[sflag:s18] =	ssyncset.done $0x0  }
0xc2: {  	s13 =	rddreg [dreg:$0xf];
	[sflag:s18] =	ssyncadd.s32 $0xFFFFF000  }
0xc3: {  	[hbm4b:s13+s2] =	stream.linear.scatter [tilespmem:s21], [sflag:$0xC], $0x1000, $0x38;
	[tilespmem:$0xB400] =	vst v63  }
0xc4: {  	_ =	swait.ge [sflag:s20], $0x1000  }
0xc5: {  	[sflag:s20] =	ssyncset.done $0x0  }
0xc6: {  	s14 =	rddreg [dreg:$0x10];
	[sflag:s20] =	ssyncadd.s32 $0xFFFFF000  }
0xc7: {  	[hbm4b:s14+s2] =	stream.linear.scatter [tilespmem:s23], [sflag:$0xD], $0x1000, $0x38;
	[tilespmem:$0xB400] =	vst v63  }
0xc8: {  	_ =	swait.ge [sflag:s22], $0x1000  }
0xc9: {  	[sflag:s22] =	ssyncset.done $0x0  }
0xca: {  	s13 =	rddreg [dreg:$0x11];
	[sflag:s22] =	ssyncadd.s32 $0xFFFFF000  }
0xcb: {  	[hbm4b:s13+s2] =	stream.linear.scatter [tilespmem:s25], [sflag:$0xE], $0x1000, $0x38;
	[tilespmem:$0xB400] =	vst v63  }
0xcc: {  	_ =	swait.ge [sflag:s24], $0x1000  }
0xcd: {  	[sflag:s24] =	ssyncset.done $0x0  }
0xce: {  	s14 =	rddreg [dreg:$0x12];
	[sflag:s24] =	ssyncadd.s32 $0xFFFFF000  }
0xcf: {  	[hbm4b:s14+s2] =	stream.linear.scatter [tilespmem:s28], [sflag:$0xF], $0x1000, $0x38;
	[tilespmem:$0xB400] =	vst v63  }
0xd0: {  	_ =	swait.ge [sflag:s26], $0x1000  }
0xd1: {  	[sflag:s26] =	ssyncset.done $0x0  }
0xd2: {  	s13 =	rddreg [dreg:$0x13];
	[sflag:s26] =	ssyncadd.s32 $0xFFFFF000  }
0xd3: {  	[hbm4b:s13+s2] =	stream.linear.scatter [tilespmem:s30], [sflag:$0x10], $0x1000, $0x38;
	[tilespmem:$0xB400] =	vst v63  }
0xd4: {  	_ =	swait.ge [sflag:s29], $0x1000  }
0xd5: {  	[sflag:s29] =	ssyncset.done $0x0  }
0xd6: {  	[sflag:s29] =	ssyncadd.s32 $0xFFFFF000  }
0xd7: {  	_ =	swait.ge [sflag:s4], $0x1000  }
0xd8: {  	[sflag:s4] =	ssyncset.done $0x0  }
0xd9: {  	[sflag:s4] =	ssyncadd.s32 $0xFFFFF000  }
0xda: {  	_ =	swait.ge [sflag:s5], $0x1000  }
0xdb: {  	[sflag:s5] =	ssyncset.done $0x0  }
0xdc: {  	[sflag:s5] =	ssyncadd.s32 $0xFFFFF000  }
0xdd: {  	_ =	swait.ge [sflag:s6], $0x1000  }
0xde: {  	[sflag:s6] =	ssyncset.done $0x0  }
0xdf: {  	[sflag:s6] =	ssyncadd.s32 $0xFFFFF000  }
0xe0: {  	_ =	swait.ge [sflag:s7], $0x1000  }
0xe1: {  	[sflag:s7] =	ssyncset.done $0x0  }
0xe2: {  	[sflag:s7] =	ssyncadd.s32 $0xFFFFF000  }
0xe3: {  	_ =	swait.ge [sflag:s8], $0x1000  }
0xe4: {  	[sflag:s8] =	ssyncset.done $0x0  }
0xe5: {  	[sflag:s8] =	ssyncadd.s32 $0xFFFFF000  }
0xe6: {  	_ =	swait.ge [sflag:s9], $0x1000  }
0xe7: {  	[sflag:s9] =	ssyncset.done $0x0  }
0xe8: {  	[sflag:s9] =	ssyncadd.s32 $0xFFFFF000  }
0xe9: {  	_ =	swait.ge [sflag:s10], $0x1000  }
0xea: {  	s11 =	sadd.s32 $0x1, s11;
	s14 =	rddreg [dreg:$0x14]  }
0xeb: {  	p0 =	sne.s32 s11, s14  }
.Ltmp1:
0xec: {  	_ = 	snop;
	(pc) =	sbr.rel @p0 .LBB2_1-.Ltmp1, $3  }
0xed: {  	_ =	sdelay $0x1  }
0xee: {  	[sflag:s10] =	ssyncset.done $0x0  }
0xef: {  	[sflag:s10] =	ssyncadd.s32 $0xFFFFF000  }
0xf0: {  	_ =	sfence.sel $0x180000  }
0xf1: {  	[bflag:$0x0] =	sbarrier.arrive $0xFFFF  }
0xf2: {  	_ =	strace $0x90000047  }
0xf3: {  	s0 =	stileid.u32;
	[bflag:$0x2] =	sbarrier.arrive $0xFFFF  }
0xf4: {  	p0 =	sne.s32 s0, $0x0;
	s0 =	rddreg [dreg:$0x2]  }
0xf5: {  	s0 =	sadd.s32 @!p0 $0x100000, s0  }
0xf6: {  	[sflag:s0] =	ssyncadd.tile.s32 @!p0 $0x1;
	_ =	shalt  }
.Lfunc_end2:
_tile_overlayer_lowered:
.L_overlay_start_2:
0xf7: {  	(tag) =	ssettag $0x2  }
0xf8: {  	s0 =	rddreg [dreg:$0x0];
	s2 =	stileid.u32  }
0xf9: {  	s1 =	rddreg [dreg:$0x1];
	p0 =	sne.s32 s2, $0x0  }
0xfa: {  	s3 =	rddreg [dreg:$0x2];
	[bflag:$0x3] =	sbarrier.arrive $0xFFFF;
	s2 =	simm.s32 @!p0 $0x1C11  }
0xfb: {  	[timem:s3], [sflag:s2] =	dma.local @!p0 [hbm:s0], s1  }
0xfc: {  	s0 =	simm.s32 @!p0 $0x11  }
0xfd: {  	_ =	swait.ge @!p0 [sflag:s0], s1  }
0xfe: {  	s1 =	ssub.s32 @!p0 $0x0, s1;
	[sflag:s0] =	ssyncset.done @!p0 $0x0  }
0xff: {  	[sflag:s0] =	ssyncadd.s32 @!p0 s1  }
0x100: {  	[bflag:$0x3] =	sbarrier.arrive $0xFFFF  }
0x101: {  	_ =	shalt  }

// kernel: sparse-core-data-format-call.cloned.1.call-start
scs
called_computation_lowered:
.L_overlay_start_0:
0x0: {  	s2 =	sld [smem:$0x3FD9]  }
0x1: {  	s3 =	sld [smem:$0x3FFE];
	_ =	sdelay $0x1  }
0x2: {  	s1 =	srdreg.scid  }
0x3: {  	s0 =	sand.u32 $0x1, s1  }
0x4: {  	s18 =	sshll.u32 s0, $0xA;
	s2 =	sadd.s32 s3, s2  }
0x5: {  	s2 =	sadd.s32 s2, s18  }
0x6: {  	[smem:$0x3FC6] =	sst s2  }
0x7: {  	_ = 	snop  }
0x8: {  	s2 =	sld [smem:$0x3FD0];
	(tm) =	ssettm $0x1  }
0x9: {  	s19 =	sld [smem:$0x3FFB];
	_ =	sdelay $0x3  }
0xa: {  	_ =	strace s19  }
0xb: {  	s3 =	sld [smem:$0x3FFC];
	_ =	sdelay $0x3  }
0xc: {  	_ =	strace s3  }
0xd: {  	s3 =	sld [smem:$0x3FFD];
	_ =	sdelay $0x3  }
0xe: {  	_ =	strace s3  }
0xf: {  	_ =	strace $0x8FFFFFFF  }
0x10: {  	s20 =	sld [smem:$0x3FDB];
	_ =	sdelay $0x1  }
0x11: {  	s4 =	simm.s32 $_scs_section_size  }
0x12: {  	s5 =	simm.s32 $_size__tile_overlayer_lowered;
	s6 =	simm.s32 $_tile_overlayer_lowered  }
0x13: {  	s23 =	simm.s32 $0x1BFF;
	s22 =	sshll.u32 s6, $0x1;
	s3 =	sadd.s32 s4, s20  }
0x14: {  	s7 =	simm.s32 $0x0;
	s21 =	sshll.u32 s5, $0x1;
	s5 =	sadd.s32 s22, s3  }
0x15: {  	[timem:s7], [sflag:s23] =	dma.local [hbm:s5], s21  }
0x16: {  	_ =	swait.ge [sflag:s23], s21  }
0x17: {  	s4 =	ssub.s32 $0x0, s21;
	[sflag:s23] =	ssyncset.done $0x0  }
0x18: {  	[sflag:s23] =	ssyncadd.s32 s4;
	_ =	sdelay $0x1  }
0x19: {  	s24 =	simm.s32 $0x1B8B  }
0x1a: {  	_ =	swait.ge [sflag:s24], $0x1  }
0x1b: {  	[sflag:s24] =	ssyncset.done $0x0  }
0x1c: {  	s26 =	simm.s32 $0x1B8E;
	s25 =	sld [smem:$0x3FFE];
	[sflag:s24] =	ssyncadd.s32 $0xFFFFFFFF  }
0x1d: {  	s27 =	simm.s32 $execute0_lowered;
	[smem:$0x3FD2] =	sst s26  }
0x1e: {  	s5 =	sshll.u32 s27, $0x1;
	_ =	strace $0x80000049;
	[dreg:$0x1] =	wrdreg $0xFFFFFFFF  }
0x1f: {  	s28 =	simm.s32 $_size_execute0_lowered;
	s3 =	sadd.s32 s3, s5;
	[dreg:$0x0] =	wrdreg $0x0  }
0x20: {  	s5 =	sshll.u32 s28, $0x1;
	[dreg:$0x2] =	wrdreg s3  }
0x21: {  	[dreg:$0x3] =	wrdreg s5  }
0x22: {  	[dreg:$0x4] =	wrdreg $0xC0  }
0x23: {  	_ =	task [dreg:s7], $0x5FFFF  }
0x24: {  	[dreg:$0x1] =	wrdreg $0xFFFFFFFF  }
0x25: {  	[dreg:$0x0] =	wrdreg $0x60  }
0x26: {  	[dreg:$0x2] =	wrdreg s25  }
0x27: {  	[dreg:$0x3] =	wrdreg s2  }
0x28: {  	[dreg:$0x4] =	wrdreg $0x9  }
0x29: {  	_ =	task.clear_ibuf [dreg:s7], $0x5FFFF;
	_ =	strace $0x90000049  }
0x2a: {  	s29 =	simm.s32 $0x9;
	_ =	strace $0x8000004B  }
0x2b: {  	_ =	swait.ge [sflag:s29], $0x1  }
0x2c: {  	[sflag:s29] =	ssyncadd.s32 $0xFFFFFFFF  }
0x2d: {  	_ =	strace $0x9000004B  }
0x2e: {  	_ =	sfence  }
0x2f: {  	s30 =	sld [smem:$0x0];
	_ =	sdelay $0x2  }
0x30: {  	s31 =	sshll.u32 s1, $0xD;
	s1 =	sshrl.u32 s1, $0x2  }
0x31: {  	s3 =	sand.u32 $0x4000, s31;
	s1 =	sadd.s32 s1, s30  }
0x32: {  	s0 =	sor.u32 s3, s0;
	s1 =	sshll.u32 s1, $0x11  }
0x33: {  	s0 =	sor.u32 s1, s0  }
0x34: {  	s0 =	sadd.s32 $0x8F2B, s0  }
0x35: {  	[sflag:s0] =	ssyncadd.remote.s32 $0x1  }
0x36: {  	_ =	sfence.sel $0xFFFF  }
0x37: {  	[dreg:$0x0] =	wrdreg $0xFFFFFFFF;
	(pc) =	sbr.abs _section_cstart, $3  }
0x38: {  	[dreg:$0x1] =	wrdreg $0xFFFFFFFF  }
0x39: {  	_ =	task.clear_ibuf [dreg:s7], $0x2FFFF;
	_ =	strace $0x9FFFFFFF  }
0x3a: {  	(tm) =	ssettm $0x7FFFFFFF  }
0x3b: {  	_ =	shalt  }
tec
execute0_lowered:
.L_overlay_start_1:
0x0: {  	(tag) =	ssettag $0x1  }
0x1: {  	s0 =	srdreg.scid  }
0x2: {  	s1 =	sshll.u32 s0, $0x4  }
0x3: {  	s6 =	rddreg [dreg:$0x0];
	s0 =	stileid.u32;
	s1 =	sand.u32 $0x10, s1  }
0x4: {  	s3 =	rddreg [dreg:$0x1];
	s1 =	sor.u32 s0, s1  }
0x5: {  	s5 =	simm.s32 $0x1;
	s31 =	simm.s32 $0x2;
	s2 =	sshll.u32 s1, $0x7  }
0x6: {  	s15 =	simm.s32 $0x0;
	s8 =	simm.s32 $0x20000;
	s4 =	ssub.s32 $0x4000, s2  }
0x7: {  	s14 =	simm.s32 $0x0;
	s9 =	simm.s32 $0x0;
	s30 =	sand.u32 $0xF80, s4  }
0x8: {  	s10 =	simm.s32 $0x0;
	s11 =	simm.s32 $0x0;
	p0 =	sne.s32 s30, $0x0  }
.Ltmp0:
0x9: {  	s7 =	sshrl.u32 s4, $0xC;
	s5 =	simm.s32 @!p0 $0x0;
	(pc) =	sbr.rel .LBB1_1-.Ltmp0, $4  }
0xa: {  	s13 =	simm.s32 $0x0;
	s1 =	rddreg [dreg:$0x2];
	s5 =	sadd.s32 s5, s7  }
0xb: {  	_ =	strace $0x8000004A;
	s4 =	simm.s32 $0x1;
	s5 =	smul.u32 $0x7, s5  }
0xc: {  	s6 =	sadd.s32 $0xC00, s6;
	s12 =	smov.u32 s2;
	[sflag:s4] =	ssyncpa.u1 $0x0  }
0xd: {  	[sflag:s31] =	ssyncpa.u1 $0x0;
	p0 =	por $0x0, $0x0;
	s7 =	sadd.s32 $0x1, s5  }
.LBB1_4:
0xe: {  	s20 =	sshra.s32 s20, $0x2  }
0xf: {  	s28 =	sand.u32 $0x78, s10;
	s21 =	sshll.u32 s9, $0xE;
	s22 =	sshll.u32 s10, $0x3  }
0x10: {  	s24 =	sshll.u32 s9, $0x7;
	p1 =	sgt.s32 s9, $0x2C0;
	s30 =	sshra.s32 s9, $0x1F  }
0x11: {  	s26 =	sshra.s32 s10, $0x1F;
	s19 =	sadd.s32 s20, s19;
	s21 =	sand.u32 $0xFFFE0000, s21  }
0x12: {  	v5 =	vld [tilespmem:s17+$0xFFFFFFD0];
	[tilespmem:s18+$0x2040 ss:$0x81] =	vst.msk $0xffff, v4;
	s23 =	sand.u32 $0xFFFFFC00, s22;
	s29 =	sand.u32 $0x380, s24;
	s22 =	sand.u32 $0x3C00, s22  }
0x13: {  	v58 =	vld [tilespmem:s17+$0xFFFFFFE0];
	[tilespmem:s18+$0x2850 ss:$0x81] =	vst.msk $0xffff, v3;
	s21 =	sadd.s32 s23, s21;
	s20 =	sor.u32 s28, s22;
	s22 =	smov.u32 s9  }
0x14: {  	v59 =	vld [tilespmem:s17+$0xFFFFFFF0];
	[tilespmem:s18+$0x3060 ss:$0x81] =	vst.msk $0xffff, v2;
	s24 =	sand.u32 s30, s9;
	s21 =	sshrl.u32 s21, $0xE;
	s22 =	simm.s32 @!p1 $0x2C0  }
0x15: {  	v60 =	vld [tilespmem:s17+$0x0];
	[tilespmem:s18+$0x0 ss:$0x81] =	vst.msk $0xffff, v1;
	p1 =	sgt.s32 s10, $0x3F80;
	s31 =	ssub.s32 s22, s24;
	s22 =	smov.u32 s10  }
0x16: {  	v61 =	vld [tilespmem:s17+$0x10];
	[tilespmem:s19+$0x3870 ss:$0x81] =	vst.msk $0xffff, v0;
	s25 =	smulhi.u32 $0x4EC4ED, s21;
	s24 =	sand.u32 s26, s10;
	s22 =	simm.s32 @!p1 $0x3F80  }
0x17: {  	v62 =	vld [tilespmem:s17+$0x20];
	s20 =	sor.u32 s29, s20;
	[tilespmem:s19+$0x810 ss:$0x81] =	vst.msk $0xffff, v5;
	s27 =	sadd.s32 $0xFFFFFD40, s31;
	s22 =	ssub.s32 s22, s24  }
0x18: {  	v63 =	vld [tilespmem:s17+$0xFFFFFFC0];
	[tilespmem:s19+$0x1020 ss:$0x81] =	vst.msk $0xffff, v58;
	s18 =	ssub.s32 $0x340, s31;
	s28 =	smul.u32 $0x340, s25;
	s29 =	sadd.s32 $0xFFFFC080, s22  }
0x19: {  	[tilespmem:s19+$0x1830 ss:$0x81] =	vst.msk $0xffff, v59;
	p1 =	sgt.s32 s27, $0x7F;
	s22 =	ssub.s32 $0x4000, s22;
	p2 =	sgt.s32 s29, $0x7F  }
0x1a: {  	s30 =	sand.u32 $0x7, s10;
	[tilespmem:s19+$0x2040 ss:$0x81] =	vst.msk $0xffff, v60;
	s18 =	simm.s32 @p1 $0x0;
	s22 =	simm.s32 @p2 $0x0  }
0x1b: {  	s20 =	sshrl.u32 s20, $0x3;
	[tilespmem:s19+$0x2850 ss:$0x81] =	vst.msk $0xffff, v61;
	s17 =	ssub.s32 s21, s28;
	s18 =	smul.u32 s22, s18  }
0x1c: {  	[tilespmem:s19+$0x3060 ss:$0x81] =	vst.msk $0xffff, v62;
	s20 =	sadd.s32 s3, s20;
	s21 =	sshll.u32 s30, $0x12;
	s17 =	sshll.u32 s17, $0xB  }
0x1d: {  	[tilespmem:s19+$0x0 ss:$0x81] =	vst.msk $0xffff, v63;
	s31 =	sor.u32 $0x400, s21;
	s17 =	sadd.s32 s17, s20;
	s18 =	sand.u32 $0x3FFFFFFF, s18  }
0x1e: {  	[hbm4b:s17+s31] =	stream.strided.scatter [tilespmem:s16], [sflag:$0x2], s18, s8, s31, $0x20;
	[tilespmem:$0x10100] =	vst v63  }
.LBB1_5:
0x1f: {  	p1 =	slt.u32 s13, $0x2  }
0x20: {  	s17 =	smov.u32 s15;
	p2 =	sgt.s32 @!p1 s15, $0x2C0;
	s16 =	sshra.s32 @!p1 s15, $0x1F  }
0x21: {  	p3 =	sgt.s32 @!p1 s14, $0x3F80;
	s18 =	sshra.s32 @!p1 s14, $0x1F;
	p2 =	por !p2, p1  }
0x22: {  	s15 =	sand.u32 @!p1 s16, s15;
	p3 =	por !p3, p1;
	s16 =	smov.u32 s14  }
0x23: {  	s14 =	sand.u32 @!p1 s18, s14;
	s17 =	simm.s32 @p2 $0x2C0;
	s16 =	simm.s32 @p3 $0x3F80  }
0x24: {  	s15 =	ssub.s32 @!p1 s17, s15;
	s14 =	ssub.s32 @!p1 s16, s14  }
0x25: {  	s18 =	smov.u32 s12;
	s16 =	sadd.s32 @!p1 $0xFFFFFD40, s15;
	s17 =	sadd.s32 @!p1 $0xFFFFC080, s14  }
0x26: {  	s15 =	ssub.s32 @!p1 $0x340, s15;
	p2 =	sgt.s32 @!p1 s16, $0x7F;
	p3 =	sgt.s32 @!p1 s17, $0x7F  }
0x27: {  	s14 =	ssub.s32 @!p1 $0x4000, s14;
	p2 =	por !p2, p1;
	p3 =	por !p3, p1  }
0x28: {  	s16 =	sadd.s32 $0x80, s11;
	s15 =	simm.s32 @!p2 $0x0;
	s14 =	simm.s32 @!p3 $0x0  }
0x29: {  	p2 =	sgt.s32 s16, $0x33F;
	s14 =	smul.u32 @!p1 s14, s15;
	s15 =	sadd.s32 $0x1000, s12  }
0x2a: {  	s18 =	smov.u32 @p2 s15  }
0x2b: {  	s16 =	simm.s32 @p2 $0x0;
	p2 =	sgt.s32 s18, $0x3FFF  }
0x2c: {  	s18 =	smov.u32 @p2 s2;
	p2 =	sne.s32 s13, s7  }
.Ltmp1:
0x2d: {  	p0 =	por !p0, !p0;
	s17 =	simm.s32 @!p1 $0x2;
	(pc) =	sbr.rel @!p2 .LBB1_6-.Ltmp1, $4  }
0x2e: {  	s15 =	smov.u32 s9;
	s9 =	smov.u32 s11;
	s14 =	sand.u32 @!p1 $0x3FFFFFFF, s14  }
0x2f: {  	s11 =	smov.u32 s16;
	_ =	swait.ge @!p1 [sflag:s17], s14;
	s19 =	ssub.s32 @!p1 $0x0, s14  }
0x30: {  	s14 =	smov.u32 s10;
	s13 =	sadd.s32 $0x1, s13;
	[sflag:s17] =	ssyncset.done @!p1 $0x0  }
0x31: {  	s10 =	smov.u32 s12;
	s12 =	smov.u32 s18;
	[sflag:s17] =	ssyncadd.s32 @!p1 s19  }
.LBB1_1:
0x32: {  	p1 =	sge.u32 s13, s5  }
0x33: {  	s16 =	sshrl.u32 @!p1 s12, $0x3  }
0x34: {  	s17 =	sshll.u32 @!p1 s11, $0x3;
	s16 =	smul.u32 @!p1 $0x1C00, s16  }
0x35: {  	s18 =	sshll.u32 @!p1 s12, $0x7;
	s17 =	sand.u32 @!p1 $0xFFFFFC00, s17  }
0x36: {  	s16 =	sadd.s32 @!p1 s16, s17;
	s17 =	sand.u32 @!p1 $0x380, s18  }
0x37: {  	s16 =	sor.u32 @!p1 s17, s16  }
0x38: {  	s17 =	sshrl.u32 @!p1 s16, $0x7  }
0x39: {  	s17 =	smulhi.u32 @!p1 $0x24924925, s17;
	_ =	sdelay $0x1  }
0x3a: {  	s18 =	sand.u32 @!p1 $0x7F, s11;
	s19 =	smul.u32 @!p1 $0x380, s17  }
0x3b: {  	s31 =	sadd.s32 $0xFFFFFFFF, s13;
	s16 =	sor.u32 @!p1 s18, s16;
	s18 =	sxor.u32 @!p1 $0xFFFFFFFF, s13  }
0x3c: {  	s18 =	sshll.u32 @!p1 s18, $0xE;
	s17 =	sand.u32 @!p1 $0x3FFF, s17;
	s16 =	ssub.s32 @!p1 s16, s19  }
0x3d: {  	s17 =	smul.u32 @!p1 $0x70, s17;
	s19 =	sshrl.u32 @!p1 s16, $0x3;
	s16 =	sand.u32 @!p1 $0x7, s16  }
0x3e: {  	s18 =	sand.u32 @!p1 $0x4000, s18;
	s19 =	sadd.s32 @!p1 s6, s19;
	s16 =	sshll.u32 @!p1 s16, $0x12  }
0x3f: {  	s17 =	sadd.s32 @!p1 s17, s19;
	s16 =	sor.u32 @!p1 $0x400, s16;
	s19 =	simm.s32 @!p1 $0x1C00  }
0x40: {  	[tilespmem:s18], [sflag:$0x1] =	stream.strided.gather @!p1 [hbm4b:s17+s16], $0x4000, s19, s16, $0x38;
	[tilespmem:$0x10100] =	vst v63  }
0x41: {  	p1 =	sge.u32 s31, s5  }
.Ltmp2:
0x42: {  	_ = 	snop;
	(pc) =	sbr.rel @p1 .LBB1_5-.Ltmp2, $1  }
0x43: {  	_ =	sdelay $0x3  }
0x44: {  	s16 =	simm.s32 $0x1  }
0x45: {  	_ =	swait.ge [sflag:s4], $0x4000;
	s16 =	simm.s32 @!p0 $0x0  }
0x46: {  	[sflag:s4] =	ssyncset.done $0x0;
	s17 =	sshll.u32 s16, $0xE  }
0x47: {  	[sflag:s4] =	ssyncadd.s32 $0xFFFFC000;
	s17 =	sor.u32 $0x40, s17  }
0x48: {  	s16 =	smul.u32 $0x10200, s16;
	v0 =	vld [tilespmem:s17+$0x30]  }
0x49: {  	v1 =	vld [tilespmem:s17+$0xFFFFFFD0]  }
0x4a: {  	s16 =	sshrl.u32 s16, $0x2;
	v5 =	vld [tilespmem:s17+$0xFFFFFFE0]  }
0x4b: {  	v6 =	vld [tilespmem:s17+$0xFFFFFFF0];
	s19 =	sor.u32 $0x8000, s16  }
0x4c: {  	s31 =	sand.u32 $0x1, s13;
	v4 =	vld [tilespmem:s17+$0x0];
	s18 =	sadd.s32 $0x0, s19  }
0x4d: {  	v3 =	vld [tilespmem:s17+$0x10];
	s16 =	smul.u32 $0x10200, s31;
	[tilespmem:s18+$0x3870 ss:$0x81] =	vst.msk $0xffff, v0  }
0x4e: {  	v2 =	vld [tilespmem:s17+$0x20];
	[tilespmem:s18+$0x810 ss:$0x81] =	vst.msk $0xffff, v1  }
0x4f: {  	s16 =	sshrl.u32 s16, $0x2;
	v1 =	vld [tilespmem:s17+$0xFFFFFFC0];
	[tilespmem:s18+$0x1020 ss:$0x81] =	vst.msk $0xffff, v5;
	s17 =	sadd.s32 $0x80, s17  }
0x50: {  	s20 =	simm.s32 $0x4;
	s21 =	simm.s32 $0x8;
	s16 =	sor.u32 $0x8000, s16;
	[tilespmem:s18+$0x1830 ss:$0x81] =	vst.msk $0xffff, v6;
	v0 =	vld [tilespmem:s17+$0x30]  }
.LBB1_3:
0x51: {  	p1 =	sne.s32 s21, $0x1FC;
	v5 =	vld [tilespmem:s17+$0xFFFFFFD0];
	[tilespmem:s18+$0x2040 ss:$0x81] =	vst.msk $0xffff, v4  }
0x52: {  	v6 =	vld [tilespmem:s17+$0xFFFFFFE0];
	[tilespmem:s18+$0x2850 ss:$0x81] =	vst.msk $0xffff, v3  }
0x53: {  	s22 =	sshra.s32 s20, $0x2;
	s20 =	smov.u32 s21;
	v7 =	vld [tilespmem:s17+$0xFFFFFFF0];
	[tilespmem:s18+$0x3060 ss:$0x81] =	vst.msk $0xffff, v2  }
.Ltmp3:
0x54: {  	v4 =	vld [tilespmem:s17+$0x0];
	[tilespmem:s18+$0x0 ss:$0x81] =	vst.msk $0xffff, v1;
	s18 =	sadd.s32 s22, s19;
	(pc) =	sbr.rel @p1 .LBB1_3-.Ltmp3, $4  }
0x55: {  	v3 =	vld [tilespmem:s17+$0x10];
	[tilespmem:s18+$0x3870 ss:$0x81] =	vst.msk $0xffff, v0  }
0x56: {  	[tilespmem:s18+$0x810 ss:$0x81] =	vst.msk $0xffff, v5;
	v2 =	vld [tilespmem:s17+$0x20]  }
0x57: {  	v1 =	vld [tilespmem:s17+$0xFFFFFFC0];
	[tilespmem:s18+$0x1020 ss:$0x81] =	vst.msk $0xffff, v6;
	s17 =	sadd.s32 $0x80, s17  }
0x58: {  	s21 =	sadd.s32 $0x4, s21;
	v0 =	vld [tilespmem:s17+$0x30];
	[tilespmem:s18+$0x1830 ss:$0x81] =	vst.msk $0xffff, v7  }
.Ltmp4:
0x59: {  	_ = 	snop;
	(pc) =	sbr.rel .LBB1_4-.Ltmp4, $1  }
0x5a: {  	_ =	sdelay $0x3  }
.LBB1_6:
0x5b: {  	_ =	sfence.sel $0x180000  }
0x5c: {  	s2 =	simm.s32 $0x1;
	[bflag:$0x0] =	sbarrier.arrive $0xFFFF  }
0x5d: {  	s31 =	simm.s32 $0x2;
	[sflag:s2] =	ssyncpa.u1 $0x1  }
0x5e: {  	[sflag:s31] =	ssyncpa.u1 $0x1  }
0x5f: {  	p0 =	sne.s32 s0, $0x0;
	_ =	strace $0x9000004A  }
0x60: {  	s0 =	sadd.s32 @!p0 $0x100000, s1;
	[bflag:$0x2] =	sbarrier.arrive $0xFFFF  }
0x61: {  	[sflag:s0] =	ssyncadd.tile.s32 @!p0 $0x1;
	_ =	shalt  }
.Lfunc_end1:
_tile_overlayer_lowered:
.L_overlay_start_2:
0x62: {  	(tag) =	ssettag $0x2  }
0x63: {  	s0 =	rddreg [dreg:$0x0];
	s2 =	stileid.u32  }
0x64: {  	s1 =	rddreg [dreg:$0x1];
	p0 =	sne.s32 s2, $0x0  }
0x65: {  	s3 =	rddreg [dreg:$0x2];
	[bflag:$0x3] =	sbarrier.arrive $0xFFFF;
	s2 =	simm.s32 @!p0 $0x1C01  }
0x66: {  	[timem:s3], [sflag:s2] =	dma.local @!p0 [hbm:s0], s1  }
0x67: {  	s0 =	simm.s32 @!p0 $0x1  }
0x68: {  	_ =	swait.ge @!p0 [sflag:s0], s1  }
0x69: {  	s1 =	ssub.s32 @!p0 $0x0, s1;
	[sflag:s0] =	ssyncset.done @!p0 $0x0  }
0x6a: {  	[sflag:s0] =	ssyncadd.s32 @!p0 s1  }
0x6b: {  	[bflag:$0x3] =	sbarrier.arrive $0xFFFF  }
0x6c: {  	_ =	shalt  }

</sc_bundles>
